<compile_context>
chip_gen: v7x
topology: tpu7x:2x2x1
jax: 0.10.2.dev20260603
libtpu: 0.0.44.dev20260713+nightly
codegen_flags: <defaults>
</compile_context>

<pallas_src>
import functools

import jax
import jax.numpy as jnp
from jax import lax
from jax.experimental import pallas as pl
from jax.experimental.pallas import tpu as pltpu
from jax.experimental.pallas import tpu_sc as plsc

_B = 1024
_L = 50
_NC = 2
_NS = 16
_NW = _NC * _NS

_N_SEG = _B * _L
_N_LNK = _B * (_L - 1)
_SEG_W = _N_SEG // _NW
_LNK_W = _N_LNK // _NW
_EXT_W = _B // _NW
_CHUNK = 128
_SEG_CH = (_SEG_W + _CHUNK - 1) // _CHUNK
_SEG_PAD = _SEG_CH * _CHUNK
_LNK_CH = (_LNK_W + _CHUNK - 1) // _CHUNK
_LNK_PAD = _LNK_CH * _CHUNK

_NF, _NST, _NLN, _NRL = 9, 6, 7, 8
_NWEEK, _NTIME = 8, 289


def _chunked(ids, per_w, pad, nch):
    a = ids.reshape(_NW, per_w).astype(jnp.int32)
    a = jnp.pad(a, ((0, 0), (0, pad - per_w)))
    return a.reshape(_NW, nch, _CHUNK)


def _body(wtidx_r, didx_r, segidx_r, tinyidx_r, cont_r, crossidx_r, delay_r,
          wt_tab_r, wdrv_r, wseg_r, tiny_tab_r, wcross_r,
          ext_o, seg_o, link_o,
          seg_idx_v, tiny_idx_v, cross_idx_v,
          seg_rows_v, tiny_rows_v, link_rows_v,
          wtidx_v, didx_v, wt_rows_v, drv_rows_v, delay_v, cont_v, sem):
    w = lax.axis_index("s") * _NC + lax.axis_index("c")

    pltpu.sync_copy(wtidx_r.at[w], wtidx_v)
    pltpu.sync_copy(didx_r.at[w], didx_v)
    pltpu.sync_copy(segidx_r.at[w], seg_idx_v)
    pltpu.sync_copy(tinyidx_r.at[w], tiny_idx_v)
    pltpu.sync_copy(crossidx_r.at[w], cross_idx_v)

    cp_wt = pltpu.async_copy(wt_tab_r.at[wtidx_v], wt_rows_v, sem)
    cp_dr = pltpu.async_copy(wdrv_r.at[didx_v], drv_rows_v, sem)
    cps_seg, cps_tiny, cps_lnk = [], [], []
    for j in range(_SEG_CH):
        cps_seg.append(pltpu.async_copy(
            wseg_r.at[seg_idx_v.at[j]],
            seg_rows_v.at[pl.ds(j * _CHUNK, _CHUNK)], sem))
        cps_tiny.append(pltpu.async_copy(
            tiny_tab_r.at[tiny_idx_v.at[j]],
            tiny_rows_v.at[pl.ds(j * _CHUNK, _CHUNK)], sem))
    for j in range(_LNK_CH):
        cps_lnk.append(pltpu.async_copy(
            wcross_r.at[cross_idx_v.at[j]],
            link_rows_v.at[pl.ds(j * _CHUNK, _CHUNK)], sem))

    pltpu.sync_copy(cont_r.at[w], cont_v)
    pltpu.sync_copy(delay_r.at[w], delay_v)
    pltpu.sync_copy(cont_v,
                    seg_o.at[pl.ds(w * _SEG_W, _SEG_W), pl.ds(24, 4)])

    cp_wt.wait()
    pltpu.sync_copy(wt_rows_v,
                    ext_o.at[pl.ds(w * _EXT_W, _EXT_W), pl.ds(0, 8)])
    cp_dr.wait()
    pltpu.sync_copy(drv_rows_v,
                    ext_o.at[pl.ds(w * _EXT_W, _EXT_W), pl.ds(8, 16)])

    for cp in cps_seg:
        cp.wait()
    pltpu.sync_copy(seg_rows_v.at[pl.ds(0, _SEG_W)],
                    seg_o.at[pl.ds(w * _SEG_W, _SEG_W), pl.ds(0, 16)])
    for cp in cps_tiny:
        cp.wait()
    pltpu.sync_copy(tiny_rows_v.at[pl.ds(0, _SEG_W)],
                    seg_o.at[pl.ds(w * _SEG_W, _SEG_W), pl.ds(16, 8)])

    for cp in cps_lnk:
        cp.wait()
    is15 = lax.iota(jnp.int32, 16) == 15

    def grp(g, c):
        base = g * 16
        dv = delay_v[pl.ds(base, 16)]
        for i in range(16):
            r = base + i
            row = link_rows_v[r, pl.ds(0, 16)]
            d = jnp.full((16,), dv[i], jnp.float32)
            link_rows_v[r, pl.ds(0, 16)] = jnp.where(is15, d, row)
        return c

    lax.fori_loop(0, _LNK_W // 16, grp, 0)
    pltpu.sync_copy(link_rows_v.at[pl.ds(0, _LNK_W)],
                    link_o.at[pl.ds(w * _LNK_W, _LNK_W)])


_mesh = plsc.VectorSubcoreMesh(core_axis_name="c", subcore_axis_name="s")

_sc_call = functools.partial(
    pl.kernel,
    mesh=_mesh,
    compiler_params=pltpu.CompilerParams(use_tc_tiling_on_sc=False),
    out_type=(
        jax.ShapeDtypeStruct((_B, 24), jnp.float32),
        jax.ShapeDtypeStruct((_N_SEG, 28), jnp.float32),
        jax.ShapeDtypeStruct((_N_LNK, 16), jnp.float32),
    ),
    scratch_types=[
        pltpu.VMEM((_SEG_CH, _CHUNK), jnp.int32),
        pltpu.VMEM((_SEG_CH, _CHUNK), jnp.int32),
        pltpu.VMEM((_LNK_CH, _CHUNK), jnp.int32),
        pltpu.VMEM((_SEG_PAD, 16), jnp.float32),
        pltpu.VMEM((_SEG_PAD, 8), jnp.float32),
        pltpu.VMEM((_LNK_PAD, 16), jnp.float32),
        pltpu.VMEM((_EXT_W,), jnp.int32),
        pltpu.VMEM((_EXT_W,), jnp.int32),
        pltpu.VMEM((_EXT_W, 8), jnp.float32),
        pltpu.VMEM((_EXT_W, 16), jnp.float32),
        pltpu.VMEM((_LNK_W,), jnp.float32),
        pltpu.VMEM((_SEG_W, 4), jnp.float32),
        pltpu.SemaphoreType.DMA,
    ],
)(_body)


def kernel(weekID, timeID, driverID, segID, segment_functional_level,
           roadState, laneNum, roadLevel, wid, speedLimit, time, len,
           crossID, delayTime, W_week, W_time, W_driver, W_seg, W_func,
           W_state, W_lane, W_level, W_cross):
    wt_tab = jnp.concatenate([
        jnp.broadcast_to(W_week[:, None, :], (_NWEEK, _NTIME, 3)),
        jnp.broadcast_to(W_time[None, :, :], (_NWEEK, _NTIME, 5)),
    ], axis=-1).reshape(_NWEEK * _NTIME, 8)
    tiny_tab = jnp.concatenate([
        jnp.broadcast_to(W_func[:, None, None, None, :],
                         (_NF, _NST, _NLN, _NRL, 2)),
        jnp.broadcast_to(W_state[None, :, None, None, :],
                         (_NF, _NST, _NLN, _NRL, 2)),
        jnp.broadcast_to(W_lane[None, None, :, None, :],
                         (_NF, _NST, _NLN, _NRL, 2)),
        jnp.broadcast_to(W_level[None, None, None, :, :],
                         (_NF, _NST, _NLN, _NRL, 2)),
    ], axis=-1).reshape(_NF * _NST * _NLN * _NRL, 8)
    cross16 = jnp.pad(W_cross, ((0, 0), (0, 1)))

    wt_idx = (weekID.astype(jnp.int32) * _NTIME
              + timeID.astype(jnp.int32)).reshape(_NW, _EXT_W)
    tiny_id = ((segment_functional_level.astype(jnp.int32) * _NST
                + roadState.astype(jnp.int32)) * _NLN
               + laneNum.astype(jnp.int32)) * _NRL + roadLevel.astype(jnp.int32)

    drv2 = driverID.reshape(_NW, _EXT_W).astype(jnp.int32)
    seg_ids = _chunked(segID.reshape(-1), _SEG_W, _SEG_PAD, _SEG_CH)
    tiny_ids = _chunked(tiny_id.reshape(-1), _SEG_W, _SEG_PAD, _SEG_CH)
    cross_ids = _chunked(crossID.reshape(-1), _LNK_W, _LNK_PAD, _LNK_CH)
    cont = jnp.stack([wid, speedLimit, time, len], axis=-1)
    cont = cont.reshape(_NW, _SEG_W, 4)
    delay = delayTime.reshape(_NW, _LNK_W)

    ext, seg_flat, link_flat = _sc_call(
        wt_idx, drv2, seg_ids, tiny_ids, cont, cross_ids, delay,
        wt_tab, W_driver, W_seg, tiny_tab, cross16)
    return (ext, seg_flat.reshape(_B, _L, 28),
            link_flat.reshape(_B, _L - 1, 16))

# --- scband reference (transcript-rebuilt; emitter-appended) ---
"""Pipeline reference for scband-hier-etaattr-62577673503755 (READ-ONLY COPY).

The authoritative reference and input builder live on the scoring server;
editing this copy changes nothing except your own understanding.
"""

import jax, jax.numpy as jnp
import numpy as np

B = 1024
L = 50

def setup_inputs(seed: int = 0):
    key = jax.random.key(seed)
    ks = jax.random.split(key, 24)
    inp = {}
    inp['weekID'] = jax.random.randint(ks[0], (B,), 0, 8)
    inp['timeID'] = jax.random.randint(ks[1], (B,), 0, 289)
    inp['driverID'] = jax.random.randint(ks[2], (B,), 0, 200141)
    inp['segID'] = jax.random.randint(ks[3], (B, L), 0, 1376567)
    inp['segment_functional_level'] = jax.random.randint(ks[4], (B, L), 0, 9)
    inp['roadState'] = jax.random.randint(ks[5], (B, L), 0, 6)
    inp['laneNum'] = jax.random.randint(ks[6], (B, L), 0, 7)
    inp['roadLevel'] = jax.random.randint(ks[7], (B, L), 0, 8)
    inp['wid'] = jax.random.uniform(ks[8], (B, L), dtype=jnp.float32)
    inp['speedLimit'] = jax.random.uniform(ks[9], (B, L), dtype=jnp.float32)
    inp['time'] = jax.random.uniform(ks[10], (B, L), dtype=jnp.float32)
    inp['len'] = jax.random.uniform(ks[11], (B, L), dtype=jnp.float32)
    inp['crossID'] = jax.random.randint(ks[12], (B, L - 1), 0, 101009)
    inp['delayTime'] = jax.random.uniform(ks[13], (B, L - 1), dtype=jnp.float32)
    inp['W_week'] = jax.random.normal(ks[14], (8, 3), dtype=jnp.float32) * 0.02
    inp['W_time'] = jax.random.normal(ks[15], (289, 5), dtype=jnp.float32) * 0.02
    inp['W_driver'] = jax.random.normal(ks[16], (200141, 16), dtype=jnp.float32) * 0.02
    inp['W_seg'] = jax.random.normal(ks[17], (1376567, 16), dtype=jnp.float32) * 0.02
    inp['W_func'] = jax.random.normal(ks[18], (9, 2), dtype=jnp.float32) * 0.02
    inp['W_state'] = jax.random.normal(ks[19], (6, 2), dtype=jnp.float32) * 0.02
    inp['W_lane'] = jax.random.normal(ks[20], (7, 2), dtype=jnp.float32) * 0.02
    inp['W_level'] = jax.random.normal(ks[21], (8, 2), dtype=jnp.float32) * 0.02
    inp['W_cross'] = jax.random.normal(ks[22], (101009, 15), dtype=jnp.float32) * 0.02
    return inp

def reference(weekID, timeID, driverID, segID, segment_functional_level, roadState, laneNum, roadLevel, wid, speedLimit, time, len, crossID, delayTime, W_week, W_time, W_driver, W_seg, W_func, W_state, W_lane, W_level, W_cross):
    b = weekID.shape[0]
    # ext: each id is [B] -> view(B, -1) = [B,1] -> embed -> [B,1,d]; cat -> [B,1,24] -> squeeze(1)
    ext = jnp.concatenate([
        jnp.take(W_week, weekID.reshape(b, -1), axis=0),
        jnp.take(W_time, timeID.reshape(b, -1), axis=0),
        jnp.take(W_driver, driverID.reshape(b, -1), axis=0),
    ], axis=-1)
    ext = ext.squeeze(1)
    # seg: categorical embeds [B,L,d] + continuous [B,L,1] each
    seg = jnp.concatenate([
        jnp.take(W_seg, segID, axis=0),
        jnp.take(W_func, segment_functional_level, axis=0),
        jnp.take(W_state, roadState, axis=0),
        jnp.take(W_lane, laneNum, axis=0),
        jnp.take(W_level, roadLevel, axis=0),
        wid[..., None],
        speedLimit[..., None],
        time[..., None],
        len[..., None],
    ], axis=-1)
    # link
    link = jnp.concatenate([
        jnp.take(W_cross, crossID, axis=0),
        delayTime[..., None],
    ], axis=-1)
    return (ext, seg, link)

if __name__ == "__main__":
    import jax
    _d = setup_inputs()
    print(jax.jit(kernel)(*tuple(_d.values())))

</pallas_src>

<mosaic_0001>
#map = affine_map<(d0, d1) -> (0, 0)>
#map1 = affine_map<(d0, d1) -> (0, 0, 0)>
module attributes {stable_mosaic.version = 14 : i64} {
  func.func @_body(%arg0: i32, %arg1: i32, %arg2: memref<32x32xi32, #tpu.memory_space<hbm>>, %arg3: memref<32x32xi32, #tpu.memory_space<hbm>>, %arg4: memref<32x13x128xi32, #tpu.memory_space<hbm>>, %arg5: memref<32x13x128xi32, #tpu.memory_space<hbm>>, %arg6: memref<32x1600x4xf32, #tpu.memory_space<hbm>>, %arg7: memref<32x13x128xi32, #tpu.memory_space<hbm>>, %arg8: memref<32x1568xf32, #tpu.memory_space<hbm>>, %arg9: memref<2312x8xf32, #tpu.memory_space<hbm>>, %arg10: memref<200141x16xf32, #tpu.memory_space<hbm>>, %arg11: memref<1376567x16xf32, #tpu.memory_space<hbm>>, %arg12: memref<3024x8xf32, #tpu.memory_space<hbm>>, %arg13: memref<101009x16xf32, #tpu.memory_space<hbm>>, %arg14: memref<1024x24xf32, #tpu.memory_space<hbm>>, %arg15: memref<51200x28xf32, #tpu.memory_space<hbm>>, %arg16: memref<50176x16xf32, #tpu.memory_space<hbm>>, %arg17: memref<13x128xi32, #tpu.memory_space<vmem>>, %arg18: memref<13x128xi32, #tpu.memory_space<vmem>>, %arg19: memref<13x128xi32, #tpu.memory_space<vmem>>, %arg20: memref<1664x16xf32, #tpu.memory_space<vmem>>, %arg21: memref<1664x8xf32, #tpu.memory_space<vmem>>, %arg22: memref<1664x16xf32, #tpu.memory_space<vmem>>, %arg23: memref<32xi32, #tpu.memory_space<vmem>>, %arg24: memref<32xi32, #tpu.memory_space<vmem>>, %arg25: memref<32x8xf32, #tpu.memory_space<vmem>>, %arg26: memref<32x16xf32, #tpu.memory_space<vmem>>, %arg27: memref<1568xf32, #tpu.memory_space<vmem>>, %arg28: memref<1600x4xf32, #tpu.memory_space<vmem>>, %arg29: memref<!tpu.dma_semaphore, #tpu.memory_space<semaphore_mem>>) attributes {dimension_semantics = [#tpu.dimension_semantics<core_parallel>, #tpu.dimension_semantics<subcore_parallel>], iteration_bounds = array<i64: 2, 16>, scalar_prefetch = 0 : i64, scratch_operands = 13 : i64, tpu.core_type = #tpu.core_type<sc_vector_subcore>, window_params = [{transform_indices = #map}, {transform_indices = #map}, {transform_indices = #map1}, {transform_indices = #map1}, {transform_indices = #map1}, {transform_indices = #map1}, {transform_indices = #map}, {transform_indices = #map}, {transform_indices = #map}, {transform_indices = #map}, {transform_indices = #map}, {transform_indices = #map}, {transform_indices = #map}, {transform_indices = #map}, {transform_indices = #map}]} {
    %mul3A = arith.constant 2 : i32
    %mul3A_0 = arith.muli %arg1, %mul3A : i32
    %add3A = arith.addi %mul3A_0, %arg0 : i32
    "tpu.region"() ({
      %run_scoped3A = tpu.sem_alloc : memref<!tpu.dma_semaphore, #tpu.memory_space<semaphore_mem>>
      %dma_start3A_810 = arith.constant 0 : i32
      %dma_start3A_811 = tpu.memref_slice %arg2[%add3A, %dma_start3A_810] : memref<32x32xi32, #tpu.memory_space<hbm>> -> memref<1x32xi32, #tpu.memory_space<hbm>>
      %dma_start3A_812 = tpu.memref_squeeze %dma_start3A_811 : memref<1x32xi32, #tpu.memory_space<hbm>> -> memref<32xi32, #tpu.memory_space<hbm>>
      %dma_start3A_813 = arith.constant 0 : i32
      %dma_start3A_814 = tpu.memref_slice %arg2[%add3A, %dma_start3A_813] : memref<32x32xi32, #tpu.memory_space<hbm>> -> memref<1x32xi32, #tpu.memory_space<hbm>>
      %dma_start3A_815 = tpu.memref_squeeze %dma_start3A_814 : memref<1x32xi32, #tpu.memory_space<hbm>> -> memref<32xi32, #tpu.memory_space<hbm>>
      tpu.enqueue_dma source(%dma_start3A_815 : memref<32xi32, #tpu.memory_space<hbm>>) target(%arg23 : memref<32xi32, #tpu.memory_space<vmem>>) target_semaphore(%run_scoped3A : memref<!tpu.dma_semaphore, #tpu.memory_space<semaphore_mem>>)
      %dma_wait3A_816 = arith.constant 0 : i32
      %dma_wait3A_817 = tpu.memref_slice %arg2[%add3A, %dma_wait3A_816] : memref<32x32xi32, #tpu.memory_space<hbm>> -> memref<1x32xi32, #tpu.memory_space<hbm>>
      %dma_wait3A_818 = tpu.memref_squeeze %dma_wait3A_817 : memref<1x32xi32, #tpu.memory_space<hbm>> -> memref<32xi32, #tpu.memory_space<hbm>>
      %dma_wait3A_819 = arith.constant 0 : i32
      %dma_wait3A_820 = tpu.memref_slice %arg2[%add3A, %dma_wait3A_819] : memref<32x32xi32, #tpu.memory_space<hbm>> -> memref<1x32xi32, #tpu.memory_space<hbm>>
      %dma_wait3A_821 = tpu.memref_squeeze %dma_wait3A_820 : memref<1x32xi32, #tpu.memory_space<hbm>> -> memref<32xi32, #tpu.memory_space<hbm>>
      tpu.wait_dma2 semaphore(%run_scoped3A : memref<!tpu.dma_semaphore, #tpu.memory_space<semaphore_mem>>) src(%dma_wait3A_821 : memref<32xi32, #tpu.memory_space<hbm>>) dst(%arg23 : memref<32xi32, #tpu.memory_space<vmem>>)
      tpu.yield
    }) : () -> ()
    "tpu.region"() ({
      %run_scoped3A = tpu.sem_alloc : memref<!tpu.dma_semaphore, #tpu.memory_space<semaphore_mem>>
      %dma_start3A_810 = arith.constant 0 : i32
      %dma_start3A_811 = tpu.memref_slice %arg3[%add3A, %dma_start3A_810] : memref<32x32xi32, #tpu.memory_space<hbm>> -> memref<1x32xi32, #tpu.memory_space<hbm>>
      %dma_start3A_812 = tpu.memref_squeeze %dma_start3A_811 : memref<1x32xi32, #tpu.memory_space<hbm>> -> memref<32xi32, #tpu.memory_space<hbm>>
      %dma_start3A_813 = arith.constant 0 : i32
      %dma_start3A_814 = tpu.memref_slice %arg3[%add3A, %dma_start3A_813] : memref<32x32xi32, #tpu.memory_space<hbm>> -> memref<1x32xi32, #tpu.memory_space<hbm>>
      %dma_start3A_815 = tpu.memref_squeeze %dma_start3A_814 : memref<1x32xi32, #tpu.memory_space<hbm>> -> memref<32xi32, #tpu.memory_space<hbm>>
      tpu.enqueue_dma source(%dma_start3A_815 : memref<32xi32, #tpu.memory_space<hbm>>) target(%arg24 : memref<32xi32, #tpu.memory_space<vmem>>) target_semaphore(%run_scoped3A : memref<!tpu.dma_semaphore, #tpu.memory_space<semaphore_mem>>)
      %dma_wait3A_816 = arith.constant 0 : i32
      %dma_wait3A_817 = tpu.memref_slice %arg3[%add3A, %dma_wait3A_816] : memref<32x32xi32, #tpu.memory_space<hbm>> -> memref<1x32xi32, #tpu.memory_space<hbm>>
      %dma_wait3A_818 = tpu.memref_squeeze %dma_wait3A_817 : memref<1x32xi32, #tpu.memory_space<hbm>> -> memref<32xi32, #tpu.memory_space<hbm>>
      %dma_wait3A_819 = arith.constant 0 : i32
      %dma_wait3A_820 = tpu.memref_slice %arg3[%add3A, %dma_wait3A_819] : memref<32x32xi32, #tpu.memory_space<hbm>> -> memref<1x32xi32, #tpu.memory_space<hbm>>
      %dma_wait3A_821 = tpu.memref_squeeze %dma_wait3A_820 : memref<1x32xi32, #tpu.memory_space<hbm>> -> memref<32xi32, #tpu.memory_space<hbm>>
      tpu.wait_dma2 semaphore(%run_scoped3A : memref<!tpu.dma_semaphore, #tpu.memory_space<semaphore_mem>>) src(%dma_wait3A_821 : memref<32xi32, #tpu.memory_space<hbm>>) dst(%arg24 : memref<32xi32, #tpu.memory_space<vmem>>)
      tpu.yield
    }) : () -> ()
    "tpu.region"() ({
      %run_scoped3A = tpu.sem_alloc : memref<!tpu.dma_semaphore, #tpu.memory_space<semaphore_mem>>
      %dma_start3A_810 = arith.constant 0 : i32
      %dma_start3A_811 = arith.constant 0 : i32
      %dma_start3A_812 = tpu.memref_slice %arg4[%add3A, %dma_start3A_810, %dma_start3A_811] : memref<32x13x128xi32, #tpu.memory_space<hbm>> -> memref<1x13x128xi32, #tpu.memory_space<hbm>>
      %dma_start3A_813 = tpu.memref_squeeze %dma_start3A_812 : memref<1x13x128xi32, #tpu.memory_space<hbm>> -> memref<13x128xi32, #tpu.memory_space<hbm>>
      %dma_start3A_814 = arith.constant 0 : i32
      %dma_start3A_815 = arith.constant 0 : i32
      %dma_start3A_816 = tpu.memref_slice %arg4[%add3A, %dma_start3A_814, %dma_start3A_815] : memref<32x13x128xi32, #tpu.memory_space<hbm>> -> memref<1x13x128xi32, #tpu.memory_space<hbm>>
      %dma_start3A_817 = tpu.memref_squeeze %dma_start3A_816 : memref<1x13x128xi32, #tpu.memory_space<hbm>> -> memref<13x128xi32, #tpu.memory_space<hbm>>
      tpu.enqueue_dma source(%dma_start3A_817 : memref<13x128xi32, #tpu.memory_space<hbm>>) target(%arg17 : memref<13x128xi32, #tpu.memory_space<vmem>>) target_semaphore(%run_scoped3A : memref<!tpu.dma_semaphore, #tpu.memory_space<semaphore_mem>>)
      %dma_wait3A_818 = arith.constant 0 : i32
      %dma_wait3A_819 = arith.constant 0 : i32
      %dma_wait3A_820 = tpu.memref_slice %arg4[%add3A, %dma_wait3A_818, %dma_wait3A_819] : memref<32x13x128xi32, #tpu.memory_space<hbm>> -> memref<1x13x128xi32, #tpu.memory_space<hbm>>
      %dma_wait3A_821 = tpu.memref_squeeze %dma_wait3A_820 : memref<1x13x128xi32, #tpu.memory_space<hbm>> -> memref<13x128xi32, #tpu.memory_space<hbm>>
      %dma_wait3A_822 = arith.constant 0 : i32
      %dma_wait3A_823 = arith.constant 0 : i32
      %dma_wait3A_824 = tpu.memref_slice %arg4[%add3A, %dma_wait3A_822, %dma_wait3A_823] : memref<32x13x128xi32, #tpu.memory_space<hbm>> -> memref<1x13x128xi32, #tpu.memory_space<hbm>>
      %dma_wait3A_825 = tpu.memref_squeeze %dma_wait3A_824 : memref<1x13x128xi32, #tpu.memory_space<hbm>> -> memref<13x128xi32, #tpu.memory_space<hbm>>
      tpu.wait_dma2 semaphore(%run_scoped3A : memref<!tpu.dma_semaphore, #tpu.memory_space<semaphore_mem>>) src(%dma_wait3A_825 : memref<13x128xi32, #tpu.memory_space<hbm>>) dst(%arg17 : memref<13x128xi32, #tpu.memory_space<vmem>>)
      tpu.yield
    }) : () -> ()
    "tpu.region"() ({
      %run_scoped3A = tpu.sem_alloc : memref<!tpu.dma_semaphore, #tpu.memory_space<semaphore_mem>>
      %dma_start3A_810 = arith.constant 0 : i32
      %dma_start3A_811 = arith.constant 0 : i32
      %dma_start3A_812 = tpu.memref_slice %arg5[%add3A, %dma_start3A_810, %dma_start3A_811] : memref<32x13x128xi32, #tpu.memory_space<hbm>> -> memref<1x13x128xi32, #tpu.memory_space<hbm>>
      %dma_start3A_813 = tpu.memref_squeeze %dma_start3A_812 : memref<1x13x128xi32, #tpu.memory_space<hbm>> -> memref<13x128xi32, #tpu.memory_space<hbm>>
      %dma_start3A_814 = arith.constant 0 : i32
      %dma_start3A_815 = arith.constant 0 : i32
      %dma_start3A_816 = tpu.memref_slice %arg5[%add3A, %dma_start3A_814, %dma_start3A_815] : memref<32x13x128xi32, #tpu.memory_space<hbm>> -> memref<1x13x128xi32, #tpu.memory_space<hbm>>
      %dma_start3A_817 = tpu.memref_squeeze %dma_start3A_816 : memref<1x13x128xi32, #tpu.memory_space<hbm>> -> memref<13x128xi32, #tpu.memory_space<hbm>>
      tpu.enqueue_dma source(%dma_start3A_817 : memref<13x128xi32, #tpu.memory_space<hbm>>) target(%arg18 : memref<13x128xi32, #tpu.memory_space<vmem>>) target_semaphore(%run_scoped3A : memref<!tpu.dma_semaphore, #tpu.memory_space<semaphore_mem>>)
      %dma_wait3A_818 = arith.constant 0 : i32
      %dma_wait3A_819 = arith.constant 0 : i32
      %dma_wait3A_820 = tpu.memref_slice %arg5[%add3A, %dma_wait3A_818, %dma_wait3A_819] : memref<32x13x128xi32, #tpu.memory_space<hbm>> -> memref<1x13x128xi32, #tpu.memory_space<hbm>>
      %dma_wait3A_821 = tpu.memref_squeeze %dma_wait3A_820 : memref<1x13x128xi32, #tpu.memory_space<hbm>> -> memref<13x128xi32, #tpu.memory_space<hbm>>
      %dma_wait3A_822 = arith.constant 0 : i32
      %dma_wait3A_823 = arith.constant 0 : i32
      %dma_wait3A_824 = tpu.memref_slice %arg5[%add3A, %dma_wait3A_822, %dma_wait3A_823] : memref<32x13x128xi32, #tpu.memory_space<hbm>> -> memref<1x13x128xi32, #tpu.memory_space<hbm>>
      %dma_wait3A_825 = tpu.memref_squeeze %dma_wait3A_824 : memref<1x13x128xi32, #tpu.memory_space<hbm>> -> memref<13x128xi32, #tpu.memory_space<hbm>>
      tpu.wait_dma2 semaphore(%run_scoped3A : memref<!tpu.dma_semaphore, #tpu.memory_space<semaphore_mem>>) src(%dma_wait3A_825 : memref<13x128xi32, #tpu.memory_space<hbm>>) dst(%arg18 : memref<13x128xi32, #tpu.memory_space<vmem>>)
      tpu.yield
    }) : () -> ()
    "tpu.region"() ({
      %run_scoped3A = tpu.sem_alloc : memref<!tpu.dma_semaphore, #tpu.memory_space<semaphore_mem>>
      %dma_start3A_810 = arith.constant 0 : i32
      %dma_start3A_811 = arith.constant 0 : i32
      %dma_start3A_812 = tpu.memref_slice %arg7[%add3A, %dma_start3A_810, %dma_start3A_811] : memref<32x13x128xi32, #tpu.memory_space<hbm>> -> memref<1x13x128xi32, #tpu.memory_space<hbm>>
      %dma_start3A_813 = tpu.memref_squeeze %dma_start3A_812 : memref<1x13x128xi32, #tpu.memory_space<hbm>> -> memref<13x128xi32, #tpu.memory_space<hbm>>
      %dma_start3A_814 = arith.constant 0 : i32
      %dma_start3A_815 = arith.constant 0 : i32
      %dma_start3A_816 = tpu.memref_slice %arg7[%add3A, %dma_start3A_814, %dma_start3A_815] : memref<32x13x128xi32, #tpu.memory_space<hbm>> -> memref<1x13x128xi32, #tpu.memory_space<hbm>>
      %dma_start3A_817 = tpu.memref_squeeze %dma_start3A_816 : memref<1x13x128xi32, #tpu.memory_space<hbm>> -> memref<13x128xi32, #tpu.memory_space<hbm>>
      tpu.enqueue_dma source(%dma_start3A_817 : memref<13x128xi32, #tpu.memory_space<hbm>>) target(%arg19 : memref<13x128xi32, #tpu.memory_space<vmem>>) target_semaphore(%run_scoped3A : memref<!tpu.dma_semaphore, #tpu.memory_space<semaphore_mem>>)
      %dma_wait3A_818 = arith.constant 0 : i32
      %dma_wait3A_819 = arith.constant 0 : i32
      %dma_wait3A_820 = tpu.memref_slice %arg7[%add3A, %dma_wait3A_818, %dma_wait3A_819] : memref<32x13x128xi32, #tpu.memory_space<hbm>> -> memref<1x13x128xi32, #tpu.memory_space<hbm>>
      %dma_wait3A_821 = tpu.memref_squeeze %dma_wait3A_820 : memref<1x13x128xi32, #tpu.memory_space<hbm>> -> memref<13x128xi32, #tpu.memory_space<hbm>>
      %dma_wait3A_822 = arith.constant 0 : i32
      %dma_wait3A_823 = arith.constant 0 : i32
      %dma_wait3A_824 = tpu.memref_slice %arg7[%add3A, %dma_wait3A_822, %dma_wait3A_823] : memref<32x13x128xi32, #tpu.memory_space<hbm>> -> memref<1x13x128xi32, #tpu.memory_space<hbm>>
      %dma_wait3A_825 = tpu.memref_squeeze %dma_wait3A_824 : memref<1x13x128xi32, #tpu.memory_space<hbm>> -> memref<13x128xi32, #tpu.memory_space<hbm>>
      tpu.wait_dma2 semaphore(%run_scoped3A : memref<!tpu.dma_semaphore, #tpu.memory_space<semaphore_mem>>) src(%dma_wait3A_825 : memref<13x128xi32, #tpu.memory_space<hbm>>) dst(%arg19 : memref<13x128xi32, #tpu.memory_space<vmem>>)
      tpu.yield
    }) : () -> ()
    %dma_start3A = arith.constant 0 : i32
    %dma_start3A_1 = arith.constant 0 : i32
    %dma_start3A_2 = tpu.memref_slice %arg9[%dma_start3A, %dma_start3A_1] : memref<2312x8xf32, #tpu.memory_space<hbm>> -> memref<2312x8xf32, #tpu.memory_space<hbm>>
    tpu.enqueue_indirect_dma source(%dma_start3A_2 : memref<2312x8xf32, #tpu.memory_space<hbm>>) target(%arg25 : memref<32x8xf32, #tpu.memory_space<vmem>>) offsets(%arg23 : memref<32xi32, #tpu.memory_space<vmem>>) semaphore(%arg29 : memref<!tpu.dma_semaphore, #tpu.memory_space<semaphore_mem>>)
    %dma_start3A_3 = arith.constant 0 : i32
    %dma_start3A_4 = arith.constant 0 : i32
    %dma_start3A_5 = tpu.memref_slice %arg10[%dma_start3A_3, %dma_start3A_4] : memref<200141x16xf32, #tpu.memory_space<hbm>> -> memref<200141x16xf32, #tpu.memory_space<hbm>>
    tpu.enqueue_indirect_dma source(%dma_start3A_5 : memref<200141x16xf32, #tpu.memory_space<hbm>>) target(%arg26 : memref<32x16xf32, #tpu.memory_space<vmem>>) offsets(%arg24 : memref<32xi32, #tpu.memory_space<vmem>>) semaphore(%arg29 : memref<!tpu.dma_semaphore, #tpu.memory_space<semaphore_mem>>)
    %dma_start3A_6 = arith.constant 0 : i32
    %dma_start3A_7 = arith.constant 0 : i32
    %dma_start3A_8 = arith.constant 0 : i32
    %dma_start3A_9 = tpu.memref_slice %arg20[%dma_start3A_7, %dma_start3A_8] : memref<1664x16xf32, #tpu.memory_space<vmem>> -> memref<128x16xf32, #tpu.memory_space<vmem>>
    %dma_start3A_10 = arith.constant 0 : i32
    %dma_start3A_11 = tpu.memref_slice %arg17[%dma_start3A_6, %dma_start3A_10] : memref<13x128xi32, #tpu.memory_space<vmem>> -> memref<1x128xi32, #tpu.memory_space<vmem>>
    %dma_start3A_12 = tpu.memref_squeeze %dma_start3A_11 : memref<1x128xi32, #tpu.memory_space<vmem>> -> memref<128xi32, #tpu.memory_space<vmem>>
    %dma_start3A_13 = arith.constant 0 : i32
    %dma_start3A_14 = arith.constant 0 : i32
    %dma_start3A_15 = tpu.memref_slice %arg11[%dma_start3A_13, %dma_start3A_14] : memref<1376567x16xf32, #tpu.memory_space<hbm>> -> memref<1376567x16xf32, #tpu.memory_space<hbm>>
    tpu.enqueue_indirect_dma source(%dma_start3A_15 : memref<1376567x16xf32, #tpu.memory_space<hbm>>) target(%dma_start3A_9 : memref<128x16xf32, #tpu.memory_space<vmem>>) offsets(%dma_start3A_12 : memref<128xi32, #tpu.memory_space<vmem>>) semaphore(%arg29 : memref<!tpu.dma_semaphore, #tpu.memory_space<semaphore_mem>>)
    %dma_start3A_16 = arith.constant 0 : i32
    %dma_start3A_17 = arith.constant 0 : i32
    %dma_start3A_18 = arith.constant 0 : i32
    %dma_start3A_19 = tpu.memref_slice %arg21[%dma_start3A_17, %dma_start3A_18] : memref<1664x8xf32, #tpu.memory_space<vmem>> -> memref<128x8xf32, #tpu.memory_space<vmem>>
    %dma_start3A_20 = arith.constant 0 : i32
    %dma_start3A_21 = tpu.memref_slice %arg18[%dma_start3A_16, %dma_start3A_20] : memref<13x128xi32, #tpu.memory_space<vmem>> -> memref<1x128xi32, #tpu.memory_space<vmem>>
    %dma_start3A_22 = tpu.memref_squeeze %dma_start3A_21 : memref<1x128xi32, #tpu.memory_space<vmem>> -> memref<128xi32, #tpu.memory_space<vmem>>
    %dma_start3A_23 = arith.constant 0 : i32
    %dma_start3A_24 = arith.constant 0 : i32
    %dma_start3A_25 = tpu.memref_slice %arg12[%dma_start3A_23, %dma_start3A_24] : memref<3024x8xf32, #tpu.memory_space<hbm>> -> memref<3024x8xf32, #tpu.memory_space<hbm>>
    tpu.enqueue_indirect_dma source(%dma_start3A_25 : memref<3024x8xf32, #tpu.memory_space<hbm>>) target(%dma_start3A_19 : memref<128x8xf32, #tpu.memory_space<vmem>>) offsets(%dma_start3A_22 : memref<128xi32, #tpu.memory_space<vmem>>) semaphore(%arg29 : memref<!tpu.dma_semaphore, #tpu.memory_space<semaphore_mem>>)
    %dma_start3A_26 = arith.constant 1 : i32
    %dma_start3A_27 = arith.constant 128 : i32
    %dma_start3A_28 = arith.constant 0 : i32
    %dma_start3A_29 = tpu.memref_slice %arg20[%dma_start3A_27, %dma_start3A_28] : memref<1664x16xf32, #tpu.memory_space<vmem>> -> memref<128x16xf32, #tpu.memory_space<vmem>>
    %dma_start3A_30 = arith.constant 0 : i32
    %dma_start3A_31 = tpu.memref_slice %arg17[%dma_start3A_26, %dma_start3A_30] : memref<13x128xi32, #tpu.memory_space<vmem>> -> memref<1x128xi32, #tpu.memory_space<vmem>>
    %dma_start3A_32 = tpu.memref_squeeze %dma_start3A_31 : memref<1x128xi32, #tpu.memory_space<vmem>> -> memref<128xi32, #tpu.memory_space<vmem>>
    %dma_start3A_33 = arith.constant 0 : i32
    %dma_start3A_34 = arith.constant 0 : i32
    %dma_start3A_35 = tpu.memref_slice %arg11[%dma_start3A_33, %dma_start3A_34] : memref<1376567x16xf32, #tpu.memory_space<hbm>> -> memref<1376567x16xf32, #tpu.memory_space<hbm>>
    tpu.enqueue_indirect_dma source(%dma_start3A_35 : memref<1376567x16xf32, #tpu.memory_space<hbm>>) target(%dma_start3A_29 : memref<128x16xf32, #tpu.memory_space<vmem>>) offsets(%dma_start3A_32 : memref<128xi32, #tpu.memory_space<vmem>>) semaphore(%arg29 : memref<!tpu.dma_semaphore, #tpu.memory_space<semaphore_mem>>)
    %dma_start3A_36 = arith.constant 1 : i32
    %dma_start3A_37 = arith.constant 128 : i32
    %dma_start3A_38 = arith.constant 0 : i32
    %dma_start3A_39 = tpu.memref_slice %arg21[%dma_start3A_37, %dma_start3A_38] : memref<1664x8xf32, #tpu.memory_space<vmem>> -> memref<128x8xf32, #tpu.memory_space<vmem>>
    %dma_start3A_40 = arith.constant 0 : i32
    %dma_start3A_41 = tpu.memref_slice %arg18[%dma_start3A_36, %dma_start3A_40] : memref<13x128xi32, #tpu.memory_space<vmem>> -> memref<1x128xi32, #tpu.memory_space<vmem>>
    %dma_start3A_42 = tpu.memref_squeeze %dma_start3A_41 : memref<1x128xi32, #tpu.memory_space<vmem>> -> memref<128xi32, #tpu.memory_space<vmem>>
    %dma_start3A_43 = arith.constant 0 : i32
    %dma_start3A_44 = arith.constant 0 : i32
    %dma_start3A_45 = tpu.memref_slice %arg12[%dma_start3A_43, %dma_start3A_44] : memref<3024x8xf32, #tpu.memory_space<hbm>> -> memref<3024x8xf32, #tpu.memory_space<hbm>>
    tpu.enqueue_indirect_dma source(%dma_start3A_45 : memref<3024x8xf32, #tpu.memory_space<hbm>>) target(%dma_start3A_39 : memref<128x8xf32, #tpu.memory_space<vmem>>) offsets(%dma_start3A_42 : memref<128xi32, #tpu.memory_space<vmem>>) semaphore(%arg29 : memref<!tpu.dma_semaphore, #tpu.memory_space<semaphore_mem>>)
    %dma_start3A_46 = arith.constant 2 : i32
    %dma_start3A_47 = arith.constant 256 : i32
    %dma_start3A_48 = arith.constant 0 : i32
    %dma_start3A_49 = tpu.memref_slice %arg20[%dma_start3A_47, %dma_start3A_48] : memref<1664x16xf32, #tpu.memory_space<vmem>> -> memref<128x16xf32, #tpu.memory_space<vmem>>
    %dma_start3A_50 = arith.constant 0 : i32
    %dma_start3A_51 = tpu.memref_slice %arg17[%dma_start3A_46, %dma_start3A_50] : memref<13x128xi32, #tpu.memory_space<vmem>> -> memref<1x128xi32, #tpu.memory_space<vmem>>
    %dma_start3A_52 = tpu.memref_squeeze %dma_start3A_51 : memref<1x128xi32, #tpu.memory_space<vmem>> -> memref<128xi32, #tpu.memory_space<vmem>>
    %dma_start3A_53 = arith.constant 0 : i32
    %dma_start3A_54 = arith.constant 0 : i32
    %dma_start3A_55 = tpu.memref_slice %arg11[%dma_start3A_53, %dma_start3A_54] : memref<1376567x16xf32, #tpu.memory_space<hbm>> -> memref<1376567x16xf32, #tpu.memory_space<hbm>>
    tpu.enqueue_indirect_dma source(%dma_start3A_55 : memref<1376567x16xf32, #tpu.memory_space<hbm>>) target(%dma_start3A_49 : memref<128x16xf32, #tpu.memory_space<vmem>>) offsets(%dma_start3A_52 : memref<128xi32, #tpu.memory_space<vmem>>) semaphore(%arg29 : memref<!tpu.dma_semaphore, #tpu.memory_space<semaphore_mem>>)
    %dma_start3A_56 = arith.constant 2 : i32
    %dma_start3A_57 = arith.constant 256 : i32
    %dma_start3A_58 = arith.constant 0 : i32
    %dma_start3A_59 = tpu.memref_slice %arg21[%dma_start3A_57, %dma_start3A_58] : memref<1664x8xf32, #tpu.memory_space<vmem>> -> memref<128x8xf32, #tpu.memory_space<vmem>>
    %dma_start3A_60 = arith.constant 0 : i32
    %dma_start3A_61 = tpu.memref_slice %arg18[%dma_start3A_56, %dma_start3A_60] : memref<13x128xi32, #tpu.memory_space<vmem>> -> memref<1x128xi32, #tpu.memory_space<vmem>>
    %dma_start3A_62 = tpu.memref_squeeze %dma_start3A_61 : memref<1x128xi32, #tpu.memory_space<vmem>> -> memref<128xi32, #tpu.memory_space<vmem>>
    %dma_start3A_63 = arith.constant 0 : i32
    %dma_start3A_64 = arith.constant 0 : i32
    %dma_start3A_65 = tpu.memref_slice %arg12[%dma_start3A_63, %dma_start3A_64] : memref<3024x8xf32, #tpu.memory_space<hbm>> -> memref<3024x8xf32, #tpu.memory_space<hbm>>
    tpu.enqueue_indirect_dma source(%dma_start3A_65 : memref<3024x8xf32, #tpu.memory_space<hbm>>) target(%dma_start3A_59 : memref<128x8xf32, #tpu.memory_space<vmem>>) offsets(%dma_start3A_62 : memref<128xi32, #tpu.memory_space<vmem>>) semaphore(%arg29 : memref<!tpu.dma_semaphore, #tpu.memory_space<semaphore_mem>>)
    %dma_start3A_66 = arith.constant 3 : i32
    %dma_start3A_67 = arith.constant 384 : i32
    %dma_start3A_68 = arith.constant 0 : i32
    %dma_start3A_69 = tpu.memref_slice %arg20[%dma_start3A_67, %dma_start3A_68] : memref<1664x16xf32, #tpu.memory_space<vmem>> -> memref<128x16xf32, #tpu.memory_space<vmem>>
    %dma_start3A_70 = arith.constant 0 : i32
    %dma_start3A_71 = tpu.memref_slice %arg17[%dma_start3A_66, %dma_start3A_70] : memref<13x128xi32, #tpu.memory_space<vmem>> -> memref<1x128xi32, #tpu.memory_space<vmem>>
    %dma_start3A_72 = tpu.memref_squeeze %dma_start3A_71 : memref<1x128xi32, #tpu.memory_space<vmem>> -> memref<128xi32, #tpu.memory_space<vmem>>
    %dma_start3A_73 = arith.constant 0 : i32
    %dma_start3A_74 = arith.constant 0 : i32
    %dma_start3A_75 = tpu.memref_slice %arg11[%dma_start3A_73, %dma_start3A_74] : memref<1376567x16xf32, #tpu.memory_space<hbm>> -> memref<1376567x16xf32, #tpu.memory_space<hbm>>
    tpu.enqueue_indirect_dma source(%dma_start3A_75 : memref<1376567x16xf32, #tpu.memory_space<hbm>>) target(%dma_start3A_69 : memref<128x16xf32, #tpu.memory_space<vmem>>) offsets(%dma_start3A_72 : memref<128xi32, #tpu.memory_space<vmem>>) semaphore(%arg29 : memref<!tpu.dma_semaphore, #tpu.memory_space<semaphore_mem>>)
    %dma_start3A_76 = arith.constant 3 : i32
    %dma_start3A_77 = arith.constant 384 : i32
    %dma_start3A_78 = arith.constant 0 : i32
    %dma_start3A_79 = tpu.memref_slice %arg21[%dma_start3A_77, %dma_start3A_78] : memref<1664x8xf32, #tpu.memory_space<vmem>> -> memref<128x8xf32, #tpu.memory_space<vmem>>
    %dma_start3A_80 = arith.constant 0 : i32
    %dma_start3A_81 = tpu.memref_slice %arg18[%dma_start3A_76, %dma_start3A_80] : memref<13x128xi32, #tpu.memory_space<vmem>> -> memref<1x128xi32, #tpu.memory_space<vmem>>
    %dma_start3A_82 = tpu.memref_squeeze %dma_start3A_81 : memref<1x128xi32, #tpu.memory_space<vmem>> -> memref<128xi32, #tpu.memory_space<vmem>>
    %dma_start3A_83 = arith.constant 0 : i32
    %dma_start3A_84 = arith.constant 0 : i32
    %dma_start3A_85 = tpu.memref_slice %arg12[%dma_start3A_83, %dma_start3A_84] : memref<3024x8xf32, #tpu.memory_space<hbm>> -> memref<3024x8xf32, #tpu.memory_space<hbm>>
    tpu.enqueue_indirect_dma source(%dma_start3A_85 : memref<3024x8xf32, #tpu.memory_space<hbm>>) target(%dma_start3A_79 : memref<128x8xf32, #tpu.memory_space<vmem>>) offsets(%dma_start3A_82 : memref<128xi32, #tpu.memory_space<vmem>>) semaphore(%arg29 : memref<!tpu.dma_semaphore, #tpu.memory_space<semaphore_mem>>)
    %dma_start3A_86 = arith.constant 4 : i32
    %dma_start3A_87 = arith.constant 512 : i32
    %dma_start3A_88 = arith.constant 0 : i32
    %dma_start3A_89 = tpu.memref_slice %arg20[%dma_start3A_87, %dma_start3A_88] : memref<1664x16xf32, #tpu.memory_space<vmem>> -> memref<128x16xf32, #tpu.memory_space<vmem>>
    %dma_start3A_90 = arith.constant 0 : i32
    %dma_start3A_91 = tpu.memref_slice %arg17[%dma_start3A_86, %dma_start3A_90] : memref<13x128xi32, #tpu.memory_space<vmem>> -> memref<1x128xi32, #tpu.memory_space<vmem>>
    %dma_start3A_92 = tpu.memref_squeeze %dma_start3A_91 : memref<1x128xi32, #tpu.memory_space<vmem>> -> memref<128xi32, #tpu.memory_space<vmem>>
    %dma_start3A_93 = arith.constant 0 : i32
    %dma_start3A_94 = arith.constant 0 : i32
    %dma_start3A_95 = tpu.memref_slice %arg11[%dma_start3A_93, %dma_start3A_94] : memref<1376567x16xf32, #tpu.memory_space<hbm>> -> memref<1376567x16xf32, #tpu.memory_space<hbm>>
    tpu.enqueue_indirect_dma source(%dma_start3A_95 : memref<1376567x16xf32, #tpu.memory_space<hbm>>) target(%dma_start3A_89 : memref<128x16xf32, #tpu.memory_space<vmem>>) offsets(%dma_start3A_92 : memref<128xi32, #tpu.memory_space<vmem>>) semaphore(%arg29 : memref<!tpu.dma_semaphore, #tpu.memory_space<semaphore_mem>>)
    %dma_start3A_96 = arith.constant 4 : i32
    %dma_start3A_97 = arith.constant 512 : i32
    %dma_start3A_98 = arith.constant 0 : i32
    %dma_start3A_99 = tpu.memref_slice %arg21[%dma_start3A_97, %dma_start3A_98] : memref<1664x8xf32, #tpu.memory_space<vmem>> -> memref<128x8xf32, #tpu.memory_space<vmem>>
    %dma_start3A_100 = arith.constant 0 : i32
    %dma_start3A_101 = tpu.memref_slice %arg18[%dma_start3A_96, %dma_start3A_100] : memref<13x128xi32, #tpu.memory_space<vmem>> -> memref<1x128xi32, #tpu.memory_space<vmem>>
    %dma_start3A_102 = tpu.memref_squeeze %dma_start3A_101 : memref<1x128xi32, #tpu.memory_space<vmem>> -> memref<128xi32, #tpu.memory_space<vmem>>
    %dma_start3A_103 = arith.constant 0 : i32
    %dma_start3A_104 = arith.constant 0 : i32
    %dma_start3A_105 = tpu.memref_slice %arg12[%dma_start3A_103, %dma_start3A_104] : memref<3024x8xf32, #tpu.memory_space<hbm>> -> memref<3024x8xf32, #tpu.memory_space<hbm>>
    tpu.enqueue_indirect_dma source(%dma_start3A_105 : memref<3024x8xf32, #tpu.memory_space<hbm>>) target(%dma_start3A_99 : memref<128x8xf32, #tpu.memory_space<vmem>>) offsets(%dma_start3A_102 : memref<128xi32, #tpu.memory_space<vmem>>) semaphore(%arg29 : memref<!tpu.dma_semaphore, #tpu.memory_space<semaphore_mem>>)
    %dma_start3A_106 = arith.constant 5 : i32
    %dma_start3A_107 = arith.constant 640 : i32
    %dma_start3A_108 = arith.constant 0 : i32
    %dma_start3A_109 = tpu.memref_slice %arg20[%dma_start3A_107, %dma_start3A_108] : memref<1664x16xf32, #tpu.memory_space<vmem>> -> memref<128x16xf32, #tpu.memory_space<vmem>>
    %dma_start3A_110 = arith.constant 0 : i32
    %dma_start3A_111 = tpu.memref_slice %arg17[%dma_start3A_106, %dma_start3A_110] : memref<13x128xi32, #tpu.memory_space<vmem>> -> memref<1x128xi32, #tpu.memory_space<vmem>>
    %dma_start3A_112 = tpu.memref_squeeze %dma_start3A_111 : memref<1x128xi32, #tpu.memory_space<vmem>> -> memref<128xi32, #tpu.memory_space<vmem>>
    %dma_start3A_113 = arith.constant 0 : i32
    %dma_start3A_114 = arith.constant 0 : i32
    %dma_start3A_115 = tpu.memref_slice %arg11[%dma_start3A_113, %dma_start3A_114] : memref<1376567x16xf32, #tpu.memory_space<hbm>> -> memref<1376567x16xf32, #tpu.memory_space<hbm>>
    tpu.enqueue_indirect_dma source(%dma_start3A_115 : memref<1376567x16xf32, #tpu.memory_space<hbm>>) target(%dma_start3A_109 : memref<128x16xf32, #tpu.memory_space<vmem>>) offsets(%dma_start3A_112 : memref<128xi32, #tpu.memory_space<vmem>>) semaphore(%arg29 : memref<!tpu.dma_semaphore, #tpu.memory_space<semaphore_mem>>)
    %dma_start3A_116 = arith.constant 5 : i32
    %dma_start3A_117 = arith.constant 640 : i32
    %dma_start3A_118 = arith.constant 0 : i32
    %dma_start3A_119 = tpu.memref_slice %arg21[%dma_start3A_117, %dma_start3A_118] : memref<1664x8xf32, #tpu.memory_space<vmem>> -> memref<128x8xf32, #tpu.memory_space<vmem>>
    %dma_start3A_120 = arith.constant 0 : i32
    %dma_start3A_121 = tpu.memref_slice %arg18[%dma_start3A_116, %dma_start3A_120] : memref<13x128xi32, #tpu.memory_space<vmem>> -> memref<1x128xi32, #tpu.memory_space<vmem>>
    %dma_start3A_122 = tpu.memref_squeeze %dma_start3A_121 : memref<1x128xi32, #tpu.memory_space<vmem>> -> memref<128xi32, #tpu.memory_space<vmem>>
    %dma_start3A_123 = arith.constant 0 : i32
    %dma_start3A_124 = arith.constant 0 : i32
    %dma_start3A_125 = tpu.memref_slice %arg12[%dma_start3A_123, %dma_start3A_124] : memref<3024x8xf32, #tpu.memory_space<hbm>> -> memref<3024x8xf32, #tpu.memory_space<hbm>>
    tpu.enqueue_indirect_dma source(%dma_start3A_125 : memref<3024x8xf32, #tpu.memory_space<hbm>>) target(%dma_start3A_119 : memref<128x8xf32, #tpu.memory_space<vmem>>) offsets(%dma_start3A_122 : memref<128xi32, #tpu.memory_space<vmem>>) semaphore(%arg29 : memref<!tpu.dma_semaphore, #tpu.memory_space<semaphore_mem>>)
    %dma_start3A_126 = arith.constant 6 : i32
    %dma_start3A_127 = arith.constant 768 : i32
    %dma_start3A_128 = arith.constant 0 : i32
    %dma_start3A_129 = tpu.memref_slice %arg20[%dma_start3A_127, %dma_start3A_128] : memref<1664x16xf32, #tpu.memory_space<vmem>> -> memref<128x16xf32, #tpu.memory_space<vmem>>
    %dma_start3A_130 = arith.constant 0 : i32
    %dma_start3A_131 = tpu.memref_slice %arg17[%dma_start3A_126, %dma_start3A_130] : memref<13x128xi32, #tpu.memory_space<vmem>> -> memref<1x128xi32, #tpu.memory_space<vmem>>
    %dma_start3A_132 = tpu.memref_squeeze %dma_start3A_131 : memref<1x128xi32, #tpu.memory_space<vmem>> -> memref<128xi32, #tpu.memory_space<vmem>>
    %dma_start3A_133 = arith.constant 0 : i32
    %dma_start3A_134 = arith.constant 0 : i32
    %dma_start3A_135 = tpu.memref_slice %arg11[%dma_start3A_133, %dma_start3A_134] : memref<1376567x16xf32, #tpu.memory_space<hbm>> -> memref<1376567x16xf32, #tpu.memory_space<hbm>>
    tpu.enqueue_indirect_dma source(%dma_start3A_135 : memref<1376567x16xf32, #tpu.memory_space<hbm>>) target(%dma_start3A_129 : memref<128x16xf32, #tpu.memory_space<vmem>>) offsets(%dma_start3A_132 : memref<128xi32, #tpu.memory_space<vmem>>) semaphore(%arg29 : memref<!tpu.dma_semaphore, #tpu.memory_space<semaphore_mem>>)
    %dma_start3A_136 = arith.constant 6 : i32
    %dma_start3A_137 = arith.constant 768 : i32
    %dma_start3A_138 = arith.constant 0 : i32
    %dma_start3A_139 = tpu.memref_slice %arg21[%dma_start3A_137, %dma_start3A_138] : memref<1664x8xf32, #tpu.memory_space<vmem>> -> memref<128x8xf32, #tpu.memory_space<vmem>>
    %dma_start3A_140 = arith.constant 0 : i32
    %dma_start3A_141 = tpu.memref_slice %arg18[%dma_start3A_136, %dma_start3A_140] : memref<13x128xi32, #tpu.memory_space<vmem>> -> memref<1x128xi32, #tpu.memory_space<vmem>>
    %dma_start3A_142 = tpu.memref_squeeze %dma_start3A_141 : memref<1x128xi32, #tpu.memory_space<vmem>> -> memref<128xi32, #tpu.memory_space<vmem>>
    %dma_start3A_143 = arith.constant 0 : i32
    %dma_start3A_144 = arith.constant 0 : i32
    %dma_start3A_145 = tpu.memref_slice %arg12[%dma_start3A_143, %dma_start3A_144] : memref<3024x8xf32, #tpu.memory_space<hbm>> -> memref<3024x8xf32, #tpu.memory_space<hbm>>
    tpu.enqueue_indirect_dma source(%dma_start3A_145 : memref<3024x8xf32, #tpu.memory_space<hbm>>) target(%dma_start3A_139 : memref<128x8xf32, #tpu.memory_space<vmem>>) offsets(%dma_start3A_142 : memref<128xi32, #tpu.memory_space<vmem>>) semaphore(%arg29 : memref<!tpu.dma_semaphore, #tpu.memory_space<semaphore_mem>>)
    %dma_start3A_146 = arith.constant 7 : i32
    %dma_start3A_147 = arith.constant 896 : i32
    %dma_start3A_148 = arith.constant 0 : i32
    %dma_start3A_149 = tpu.memref_slice %arg20[%dma_start3A_147, %dma_start3A_148] : memref<1664x16xf32, #tpu.memory_space<vmem>> -> memref<128x16xf32, #tpu.memory_space<vmem>>
    %dma_start3A_150 = arith.constant 0 : i32
    %dma_start3A_151 = tpu.memref_slice %arg17[%dma_start3A_146, %dma_start3A_150] : memref<13x128xi32, #tpu.memory_space<vmem>> -> memref<1x128xi32, #tpu.memory_space<vmem>>
    %dma_start3A_152 = tpu.memref_squeeze %dma_start3A_151 : memref<1x128xi32, #tpu.memory_space<vmem>> -> memref<128xi32, #tpu.memory_space<vmem>>
    %dma_start3A_153 = arith.constant 0 : i32
    %dma_start3A_154 = arith.constant 0 : i32
    %dma_start3A_155 = tpu.memref_slice %arg11[%dma_start3A_153, %dma_start3A_154] : memref<1376567x16xf32, #tpu.memory_space<hbm>> -> memref<1376567x16xf32, #tpu.memory_space<hbm>>
    tpu.enqueue_indirect_dma source(%dma_start3A_155 : memref<1376567x16xf32, #tpu.memory_space<hbm>>) target(%dma_start3A_149 : memref<128x16xf32, #tpu.memory_space<vmem>>) offsets(%dma_start3A_152 : memref<128xi32, #tpu.memory_space<vmem>>) semaphore(%arg29 : memref<!tpu.dma_semaphore, #tpu.memory_space<semaphore_mem>>)
    %dma_start3A_156 = arith.constant 7 : i32
    %dma_start3A_157 = arith.constant 896 : i32
    %dma_start3A_158 = arith.constant 0 : i32
    %dma_start3A_159 = tpu.memref_slice %arg21[%dma_start3A_157, %dma_start3A_158] : memref<1664x8xf32, #tpu.memory_space<vmem>> -> memref<128x8xf32, #tpu.memory_space<vmem>>
    %dma_start3A_160 = arith.constant 0 : i32
    %dma_start3A_161 = tpu.memref_slice %arg18[%dma_start3A_156, %dma_start3A_160] : memref<13x128xi32, #tpu.memory_space<vmem>> -> memref<1x128xi32, #tpu.memory_space<vmem>>
    %dma_start3A_162 = tpu.memref_squeeze %dma_start3A_161 : memref<1x128xi32, #tpu.memory_space<vmem>> -> memref<128xi32, #tpu.memory_space<vmem>>
    %dma_start3A_163 = arith.constant 0 : i32
    %dma_start3A_164 = arith.constant 0 : i32
    %dma_start3A_165 = tpu.memref_slice %arg12[%dma_start3A_163, %dma_start3A_164] : memref<3024x8xf32, #tpu.memory_space<hbm>> -> memref<3024x8xf32, #tpu.memory_space<hbm>>
    tpu.enqueue_indirect_dma source(%dma_start3A_165 : memref<3024x8xf32, #tpu.memory_space<hbm>>) target(%dma_start3A_159 : memref<128x8xf32, #tpu.memory_space<vmem>>) offsets(%dma_start3A_162 : memref<128xi32, #tpu.memory_space<vmem>>) semaphore(%arg29 : memref<!tpu.dma_semaphore, #tpu.memory_space<semaphore_mem>>)
    %dma_start3A_166 = arith.constant 8 : i32
    %dma_start3A_167 = arith.constant 1024 : i32
    %dma_start3A_168 = arith.constant 0 : i32
    %dma_start3A_169 = tpu.memref_slice %arg20[%dma_start3A_167, %dma_start3A_168] : memref<1664x16xf32, #tpu.memory_space<vmem>> -> memref<128x16xf32, #tpu.memory_space<vmem>>
    %dma_start3A_170 = arith.constant 0 : i32
    %dma_start3A_171 = tpu.memref_slice %arg17[%dma_start3A_166, %dma_start3A_170] : memref<13x128xi32, #tpu.memory_space<vmem>> -> memref<1x128xi32, #tpu.memory_space<vmem>>
    %dma_start3A_172 = tpu.memref_squeeze %dma_start3A_171 : memref<1x128xi32, #tpu.memory_space<vmem>> -> memref<128xi32, #tpu.memory_space<vmem>>
    %dma_start3A_173 = arith.constant 0 : i32
    %dma_start3A_174 = arith.constant 0 : i32
    %dma_start3A_175 = tpu.memref_slice %arg11[%dma_start3A_173, %dma_start3A_174] : memref<1376567x16xf32, #tpu.memory_space<hbm>> -> memref<1376567x16xf32, #tpu.memory_space<hbm>>
    tpu.enqueue_indirect_dma source(%dma_start3A_175 : memref<1376567x16xf32, #tpu.memory_space<hbm>>) target(%dma_start3A_169 : memref<128x16xf32, #tpu.memory_space<vmem>>) offsets(%dma_start3A_172 : memref<128xi32, #tpu.memory_space<vmem>>) semaphore(%arg29 : memref<!tpu.dma_semaphore, #tpu.memory_space<semaphore_mem>>)
    %dma_start3A_176 = arith.constant 8 : i32
    %dma_start3A_177 = arith.constant 1024 : i32
    %dma_start3A_178 = arith.constant 0 : i32
    %dma_start3A_179 = tpu.memref_slice %arg21[%dma_start3A_177, %dma_start3A_178] : memref<1664x8xf32, #tpu.memory_space<vmem>> -> memref<128x8xf32, #tpu.memory_space<vmem>>
    %dma_start3A_180 = arith.constant 0 : i32
    %dma_start3A_181 = tpu.memref_slice %arg18[%dma_start3A_176, %dma_start3A_180] : memref<13x128xi32, #tpu.memory_space<vmem>> -> memref<1x128xi32, #tpu.memory_space<vmem>>
    %dma_start3A_182 = tpu.memref_squeeze %dma_start3A_181 : memref<1x128xi32, #tpu.memory_space<vmem>> -> memref<128xi32, #tpu.memory_space<vmem>>
    %dma_start3A_183 = arith.constant 0 : i32
    %dma_start3A_184 = arith.constant 0 : i32
    %dma_start3A_185 = tpu.memref_slice %arg12[%dma_start3A_183, %dma_start3A_184] : memref<3024x8xf32, #tpu.memory_space<hbm>> -> memref<3024x8xf32, #tpu.memory_space<hbm>>
    tpu.enqueue_indirect_dma source(%dma_start3A_185 : memref<3024x8xf32, #tpu.memory_space<hbm>>) target(%dma_start3A_179 : memref<128x8xf32, #tpu.memory_space<vmem>>) offsets(%dma_start3A_182 : memref<128xi32, #tpu.memory_space<vmem>>) semaphore(%arg29 : memref<!tpu.dma_semaphore, #tpu.memory_space<semaphore_mem>>)
    %dma_start3A_186 = arith.constant 9 : i32
    %dma_start3A_187 = arith.constant 1152 : i32
    %dma_start3A_188 = arith.constant 0 : i32
    %dma_start3A_189 = tpu.memref_slice %arg20[%dma_start3A_187, %dma_start3A_188] : memref<1664x16xf32, #tpu.memory_space<vmem>> -> memref<128x16xf32, #tpu.memory_space<vmem>>
    %dma_start3A_190 = arith.constant 0 : i32
    %dma_start3A_191 = tpu.memref_slice %arg17[%dma_start3A_186, %dma_start3A_190] : memref<13x128xi32, #tpu.memory_space<vmem>> -> memref<1x128xi32, #tpu.memory_space<vmem>>
    %dma_start3A_192 = tpu.memref_squeeze %dma_start3A_191 : memref<1x128xi32, #tpu.memory_space<vmem>> -> memref<128xi32, #tpu.memory_space<vmem>>
    %dma_start3A_193 = arith.constant 0 : i32
    %dma_start3A_194 = arith.constant 0 : i32
    %dma_start3A_195 = tpu.memref_slice %arg11[%dma_start3A_193, %dma_start3A_194] : memref<1376567x16xf32, #tpu.memory_space<hbm>> -> memref<1376567x16xf32, #tpu.memory_space<hbm>>
    tpu.enqueue_indirect_dma source(%dma_start3A_195 : memref<1376567x16xf32, #tpu.memory_space<hbm>>) target(%dma_start3A_189 : memref<128x16xf32, #tpu.memory_space<vmem>>) offsets(%dma_start3A_192 : memref<128xi32, #tpu.memory_space<vmem>>) semaphore(%arg29 : memref<!tpu.dma_semaphore, #tpu.memory_space<semaphore_mem>>)
    %dma_start3A_196 = arith.constant 9 : i32
    %dma_start3A_197 = arith.constant 1152 : i32
    %dma_start3A_198 = arith.constant 0 : i32
    %dma_start3A_199 = tpu.memref_slice %arg21[%dma_start3A_197, %dma_start3A_198] : memref<1664x8xf32, #tpu.memory_space<vmem>> -> memref<128x8xf32, #tpu.memory_space<vmem>>
    %dma_start3A_200 = arith.constant 0 : i32
    %dma_start3A_201 = tpu.memref_slice %arg18[%dma_start3A_196, %dma_start3A_200] : memref<13x128xi32, #tpu.memory_space<vmem>> -> memref<1x128xi32, #tpu.memory_space<vmem>>
    %dma_start3A_202 = tpu.memref_squeeze %dma_start3A_201 : memref<1x128xi32, #tpu.memory_space<vmem>> -> memref<128xi32, #tpu.memory_space<vmem>>
    %dma_start3A_203 = arith.constant 0 : i32
    %dma_start3A_204 = arith.constant 0 : i32
    %dma_start3A_205 = tpu.memref_slice %arg12[%dma_start3A_203, %dma_start3A_204] : memref<3024x8xf32, #tpu.memory_space<hbm>> -> memref<3024x8xf32, #tpu.memory_space<hbm>>
    tpu.enqueue_indirect_dma source(%dma_start3A_205 : memref<3024x8xf32, #tpu.memory_space<hbm>>) target(%dma_start3A_199 : memref<128x8xf32, #tpu.memory_space<vmem>>) offsets(%dma_start3A_202 : memref<128xi32, #tpu.memory_space<vmem>>) semaphore(%arg29 : memref<!tpu.dma_semaphore, #tpu.memory_space<semaphore_mem>>)
    %dma_start3A_206 = arith.constant 10 : i32
    %dma_start3A_207 = arith.constant 1280 : i32
    %dma_start3A_208 = arith.constant 0 : i32
    %dma_start3A_209 = tpu.memref_slice %arg20[%dma_start3A_207, %dma_start3A_208] : memref<1664x16xf32, #tpu.memory_space<vmem>> -> memref<128x16xf32, #tpu.memory_space<vmem>>
    %dma_start3A_210 = arith.constant 0 : i32
    %dma_start3A_211 = tpu.memref_slice %arg17[%dma_start3A_206, %dma_start3A_210] : memref<13x128xi32, #tpu.memory_space<vmem>> -> memref<1x128xi32, #tpu.memory_space<vmem>>
    %dma_start3A_212 = tpu.memref_squeeze %dma_start3A_211 : memref<1x128xi32, #tpu.memory_space<vmem>> -> memref<128xi32, #tpu.memory_space<vmem>>
    %dma_start3A_213 = arith.constant 0 : i32
    %dma_start3A_214 = arith.constant 0 : i32
    %dma_start3A_215 = tpu.memref_slice %arg11[%dma_start3A_213, %dma_start3A_214] : memref<1376567x16xf32, #tpu.memory_space<hbm>> -> memref<1376567x16xf32, #tpu.memory_space<hbm>>
    tpu.enqueue_indirect_dma source(%dma_start3A_215 : memref<1376567x16xf32, #tpu.memory_space<hbm>>) target(%dma_start3A_209 : memref<128x16xf32, #tpu.memory_space<vmem>>) offsets(%dma_start3A_212 : memref<128xi32, #tpu.memory_space<vmem>>) semaphore(%arg29 : memref<!tpu.dma_semaphore, #tpu.memory_space<semaphore_mem>>)
    %dma_start3A_216 = arith.constant 10 : i32
    %dma_start3A_217 = arith.constant 1280 : i32
    %dma_start3A_218 = arith.constant 0 : i32
    %dma_start3A_219 = tpu.memref_slice %arg21[%dma_start3A_217, %dma_start3A_218] : memref<1664x8xf32, #tpu.memory_space<vmem>> -> memref<128x8xf32, #tpu.memory_space<vmem>>
    %dma_start3A_220 = arith.constant 0 : i32
    %dma_start3A_221 = tpu.memref_slice %arg18[%dma_start3A_216, %dma_start3A_220] : memref<13x128xi32, #tpu.memory_space<vmem>> -> memref<1x128xi32, #tpu.memory_space<vmem>>
    %dma_start3A_222 = tpu.memref_squeeze %dma_start3A_221 : memref<1x128xi32, #tpu.memory_space<vmem>> -> memref<128xi32, #tpu.memory_space<vmem>>
    %dma_start3A_223 = arith.constant 0 : i32
    %dma_start3A_224 = arith.constant 0 : i32
    %dma_start3A_225 = tpu.memref_slice %arg12[%dma_start3A_223, %dma_start3A_224] : memref<3024x8xf32, #tpu.memory_space<hbm>> -> memref<3024x8xf32, #tpu.memory_space<hbm>>
    tpu.enqueue_indirect_dma source(%dma_start3A_225 : memref<3024x8xf32, #tpu.memory_space<hbm>>) target(%dma_start3A_219 : memref<128x8xf32, #tpu.memory_space<vmem>>) offsets(%dma_start3A_222 : memref<128xi32, #tpu.memory_space<vmem>>) semaphore(%arg29 : memref<!tpu.dma_semaphore, #tpu.memory_space<semaphore_mem>>)
    %dma_start3A_226 = arith.constant 11 : i32
    %dma_start3A_227 = arith.constant 1408 : i32
    %dma_start3A_228 = arith.constant 0 : i32
    %dma_start3A_229 = tpu.memref_slice %arg20[%dma_start3A_227, %dma_start3A_228] : memref<1664x16xf32, #tpu.memory_space<vmem>> -> memref<128x16xf32, #tpu.memory_space<vmem>>
    %dma_start3A_230 = arith.constant 0 : i32
    %dma_start3A_231 = tpu.memref_slice %arg17[%dma_start3A_226, %dma_start3A_230] : memref<13x128xi32, #tpu.memory_space<vmem>> -> memref<1x128xi32, #tpu.memory_space<vmem>>
    %dma_start3A_232 = tpu.memref_squeeze %dma_start3A_231 : memref<1x128xi32, #tpu.memory_space<vmem>> -> memref<128xi32, #tpu.memory_space<vmem>>
    %dma_start3A_233 = arith.constant 0 : i32
    %dma_start3A_234 = arith.constant 0 : i32
    %dma_start3A_235 = tpu.memref_slice %arg11[%dma_start3A_233, %dma_start3A_234] : memref<1376567x16xf32, #tpu.memory_space<hbm>> -> memref<1376567x16xf32, #tpu.memory_space<hbm>>
    tpu.enqueue_indirect_dma source(%dma_start3A_235 : memref<1376567x16xf32, #tpu.memory_space<hbm>>) target(%dma_start3A_229 : memref<128x16xf32, #tpu.memory_space<vmem>>) offsets(%dma_start3A_232 : memref<128xi32, #tpu.memory_space<vmem>>) semaphore(%arg29 : memref<!tpu.dma_semaphore, #tpu.memory_space<semaphore_mem>>)
    %dma_start3A_236 = arith.constant 11 : i32
    %dma_start3A_237 = arith.constant 1408 : i32
    %dma_start3A_238 = arith.constant 0 : i32
    %dma_start3A_239 = tpu.memref_slice %arg21[%dma_start3A_237, %dma_start3A_238] : memref<1664x8xf32, #tpu.memory_space<vmem>> -> memref<128x8xf32, #tpu.memory_space<vmem>>
    %dma_start3A_240 = arith.constant 0 : i32
    %dma_start3A_241 = tpu.memref_slice %arg18[%dma_start3A_236, %dma_start3A_240] : memref<13x128xi32, #tpu.memory_space<vmem>> -> memref<1x128xi32, #tpu.memory_space<vmem>>
    %dma_start3A_242 = tpu.memref_squeeze %dma_start3A_241 : memref<1x128xi32, #tpu.memory_space<vmem>> -> memref<128xi32, #tpu.memory_space<vmem>>
    %dma_start3A_243 = arith.constant 0 : i32
    %dma_start3A_244 = arith.constant 0 : i32
    %dma_start3A_245 = tpu.memref_slice %arg12[%dma_start3A_243, %dma_start3A_244] : memref<3024x8xf32, #tpu.memory_space<hbm>> -> memref<3024x8xf32, #tpu.memory_space<hbm>>
    tpu.enqueue_indirect_dma source(%dma_start3A_245 : memref<3024x8xf32, #tpu.memory_space<hbm>>) target(%dma_start3A_239 : memref<128x8xf32, #tpu.memory_space<vmem>>) offsets(%dma_start3A_242 : memref<128xi32, #tpu.memory_space<vmem>>) semaphore(%arg29 : memref<!tpu.dma_semaphore, #tpu.memory_space<semaphore_mem>>)
    %dma_start3A_246 = arith.constant 12 : i32
    %dma_start3A_247 = arith.constant 1536 : i32
    %dma_start3A_248 = arith.constant 0 : i32
    %dma_start3A_249 = tpu.memref_slice %arg20[%dma_start3A_247, %dma_start3A_248] : memref<1664x16xf32, #tpu.memory_space<vmem>> -> memref<128x16xf32, #tpu.memory_space<vmem>>
    %dma_start3A_250 = arith.constant 0 : i32
    %dma_start3A_251 = tpu.memref_slice %arg17[%dma_start3A_246, %dma_start3A_250] : memref<13x128xi32, #tpu.memory_space<vmem>> -> memref<1x128xi32, #tpu.memory_space<vmem>>
    %dma_start3A_252 = tpu.memref_squeeze %dma_start3A_251 : memref<1x128xi32, #tpu.memory_space<vmem>> -> memref<128xi32, #tpu.memory_space<vmem>>
    %dma_start3A_253 = arith.constant 0 : i32
    %dma_start3A_254 = arith.constant 0 : i32
    %dma_start3A_255 = tpu.memref_slice %arg11[%dma_start3A_253, %dma_start3A_254] : memref<1376567x16xf32, #tpu.memory_space<hbm>> -> memref<1376567x16xf32, #tpu.memory_space<hbm>>
    tpu.enqueue_indirect_dma source(%dma_start3A_255 : memref<1376567x16xf32, #tpu.memory_space<hbm>>) target(%dma_start3A_249 : memref<128x16xf32, #tpu.memory_space<vmem>>) offsets(%dma_start3A_252 : memref<128xi32, #tpu.memory_space<vmem>>) semaphore(%arg29 : memref<!tpu.dma_semaphore, #tpu.memory_space<semaphore_mem>>)
    %dma_start3A_256 = arith.constant 12 : i32
    %dma_start3A_257 = arith.constant 1536 : i32
    %dma_start3A_258 = arith.constant 0 : i32
    %dma_start3A_259 = tpu.memref_slice %arg21[%dma_start3A_257, %dma_start3A_258] : memref<1664x8xf32, #tpu.memory_space<vmem>> -> memref<128x8xf32, #tpu.memory_space<vmem>>
    %dma_start3A_260 = arith.constant 0 : i32
    %dma_start3A_261 = tpu.memref_slice %arg18[%dma_start3A_256, %dma_start3A_260] : memref<13x128xi32, #tpu.memory_space<vmem>> -> memref<1x128xi32, #tpu.memory_space<vmem>>
    %dma_start3A_262 = tpu.memref_squeeze %dma_start3A_261 : memref<1x128xi32, #tpu.memory_space<vmem>> -> memref<128xi32, #tpu.memory_space<vmem>>
    %dma_start3A_263 = arith.constant 0 : i32
    %dma_start3A_264 = arith.constant 0 : i32
    %dma_start3A_265 = tpu.memref_slice %arg12[%dma_start3A_263, %dma_start3A_264] : memref<3024x8xf32, #tpu.memory_space<hbm>> -> memref<3024x8xf32, #tpu.memory_space<hbm>>
    tpu.enqueue_indirect_dma source(%dma_start3A_265 : memref<3024x8xf32, #tpu.memory_space<hbm>>) target(%dma_start3A_259 : memref<128x8xf32, #tpu.memory_space<vmem>>) offsets(%dma_start3A_262 : memref<128xi32, #tpu.memory_space<vmem>>) semaphore(%arg29 : memref<!tpu.dma_semaphore, #tpu.memory_space<semaphore_mem>>)
    %dma_start3A_266 = arith.constant 0 : i32
    %dma_start3A_267 = arith.constant 0 : i32
    %dma_start3A_268 = arith.constant 0 : i32
    %dma_start3A_269 = tpu.memref_slice %arg22[%dma_start3A_267, %dma_start3A_268] : memref<1664x16xf32, #tpu.memory_space<vmem>> -> memref<128x16xf32, #tpu.memory_space<vmem>>
    %dma_start3A_270 = arith.constant 0 : i32
    %dma_start3A_271 = tpu.memref_slice %arg19[%dma_start3A_266, %dma_start3A_270] : memref<13x128xi32, #tpu.memory_space<vmem>> -> memref<1x128xi32, #tpu.memory_space<vmem>>
    %dma_start3A_272 = tpu.memref_squeeze %dma_start3A_271 : memref<1x128xi32, #tpu.memory_space<vmem>> -> memref<128xi32, #tpu.memory_space<vmem>>
    %dma_start3A_273 = arith.constant 0 : i32
    %dma_start3A_274 = arith.constant 0 : i32
    %dma_start3A_275 = tpu.memref_slice %arg13[%dma_start3A_273, %dma_start3A_274] : memref<101009x16xf32, #tpu.memory_space<hbm>> -> memref<101009x16xf32, #tpu.memory_space<hbm>>
    tpu.enqueue_indirect_dma source(%dma_start3A_275 : memref<101009x16xf32, #tpu.memory_space<hbm>>) target(%dma_start3A_269 : memref<128x16xf32, #tpu.memory_space<vmem>>) offsets(%dma_start3A_272 : memref<128xi32, #tpu.memory_space<vmem>>) semaphore(%arg29 : memref<!tpu.dma_semaphore, #tpu.memory_space<semaphore_mem>>)
    %dma_start3A_276 = arith.constant 1 : i32
    %dma_start3A_277 = arith.constant 128 : i32
    %dma_start3A_278 = arith.constant 0 : i32
    %dma_start3A_279 = tpu.memref_slice %arg22[%dma_start3A_277, %dma_start3A_278] : memref<1664x16xf32, #tpu.memory_space<vmem>> -> memref<128x16xf32, #tpu.memory_space<vmem>>
    %dma_start3A_280 = arith.constant 0 : i32
    %dma_start3A_281 = tpu.memref_slice %arg19[%dma_start3A_276, %dma_start3A_280] : memref<13x128xi32, #tpu.memory_space<vmem>> -> memref<1x128xi32, #tpu.memory_space<vmem>>
    %dma_start3A_282 = tpu.memref_squeeze %dma_start3A_281 : memref<1x128xi32, #tpu.memory_space<vmem>> -> memref<128xi32, #tpu.memory_space<vmem>>
    %dma_start3A_283 = arith.constant 0 : i32
    %dma_start3A_284 = arith.constant 0 : i32
    %dma_start3A_285 = tpu.memref_slice %arg13[%dma_start3A_283, %dma_start3A_284] : memref<101009x16xf32, #tpu.memory_space<hbm>> -> memref<101009x16xf32, #tpu.memory_space<hbm>>
    tpu.enqueue_indirect_dma source(%dma_start3A_285 : memref<101009x16xf32, #tpu.memory_space<hbm>>) target(%dma_start3A_279 : memref<128x16xf32, #tpu.memory_space<vmem>>) offsets(%dma_start3A_282 : memref<128xi32, #tpu.memory_space<vmem>>) semaphore(%arg29 : memref<!tpu.dma_semaphore, #tpu.memory_space<semaphore_mem>>)
    %dma_start3A_286 = arith.constant 2 : i32
    %dma_start3A_287 = arith.constant 256 : i32
    %dma_start3A_288 = arith.constant 0 : i32
    %dma_start3A_289 = tpu.memref_slice %arg22[%dma_start3A_287, %dma_start3A_288] : memref<1664x16xf32, #tpu.memory_space<vmem>> -> memref<128x16xf32, #tpu.memory_space<vmem>>
    %dma_start3A_290 = arith.constant 0 : i32
    %dma_start3A_291 = tpu.memref_slice %arg19[%dma_start3A_286, %dma_start3A_290] : memref<13x128xi32, #tpu.memory_space<vmem>> -> memref<1x128xi32, #tpu.memory_space<vmem>>
    %dma_start3A_292 = tpu.memref_squeeze %dma_start3A_291 : memref<1x128xi32, #tpu.memory_space<vmem>> -> memref<128xi32, #tpu.memory_space<vmem>>
    %dma_start3A_293 = arith.constant 0 : i32
    %dma_start3A_294 = arith.constant 0 : i32
    %dma_start3A_295 = tpu.memref_slice %arg13[%dma_start3A_293, %dma_start3A_294] : memref<101009x16xf32, #tpu.memory_space<hbm>> -> memref<101009x16xf32, #tpu.memory_space<hbm>>
    tpu.enqueue_indirect_dma source(%dma_start3A_295 : memref<101009x16xf32, #tpu.memory_space<hbm>>) target(%dma_start3A_289 : memref<128x16xf32, #tpu.memory_space<vmem>>) offsets(%dma_start3A_292 : memref<128xi32, #tpu.memory_space<vmem>>) semaphore(%arg29 : memref<!tpu.dma_semaphore, #tpu.memory_space<semaphore_mem>>)
    %dma_start3A_296 = arith.constant 3 : i32
    %dma_start3A_297 = arith.constant 384 : i32
    %dma_start3A_298 = arith.constant 0 : i32
    %dma_start3A_299 = tpu.memref_slice %arg22[%dma_start3A_297, %dma_start3A_298] : memref<1664x16xf32, #tpu.memory_space<vmem>> -> memref<128x16xf32, #tpu.memory_space<vmem>>
    %dma_start3A_300 = arith.constant 0 : i32
    %dma_start3A_301 = tpu.memref_slice %arg19[%dma_start3A_296, %dma_start3A_300] : memref<13x128xi32, #tpu.memory_space<vmem>> -> memref<1x128xi32, #tpu.memory_space<vmem>>
    %dma_start3A_302 = tpu.memref_squeeze %dma_start3A_301 : memref<1x128xi32, #tpu.memory_space<vmem>> -> memref<128xi32, #tpu.memory_space<vmem>>
    %dma_start3A_303 = arith.constant 0 : i32
    %dma_start3A_304 = arith.constant 0 : i32
    %dma_start3A_305 = tpu.memref_slice %arg13[%dma_start3A_303, %dma_start3A_304] : memref<101009x16xf32, #tpu.memory_space<hbm>> -> memref<101009x16xf32, #tpu.memory_space<hbm>>
    tpu.enqueue_indirect_dma source(%dma_start3A_305 : memref<101009x16xf32, #tpu.memory_space<hbm>>) target(%dma_start3A_299 : memref<128x16xf32, #tpu.memory_space<vmem>>) offsets(%dma_start3A_302 : memref<128xi32, #tpu.memory_space<vmem>>) semaphore(%arg29 : memref<!tpu.dma_semaphore, #tpu.memory_space<semaphore_mem>>)
    %dma_start3A_306 = arith.constant 4 : i32
    %dma_start3A_307 = arith.constant 512 : i32
    %dma_start3A_308 = arith.constant 0 : i32
    %dma_start3A_309 = tpu.memref_slice %arg22[%dma_start3A_307, %dma_start3A_308] : memref<1664x16xf32, #tpu.memory_space<vmem>> -> memref<128x16xf32, #tpu.memory_space<vmem>>
    %dma_start3A_310 = arith.constant 0 : i32
    %dma_start3A_311 = tpu.memref_slice %arg19[%dma_start3A_306, %dma_start3A_310] : memref<13x128xi32, #tpu.memory_space<vmem>> -> memref<1x128xi32, #tpu.memory_space<vmem>>
    %dma_start3A_312 = tpu.memref_squeeze %dma_start3A_311 : memref<1x128xi32, #tpu.memory_space<vmem>> -> memref<128xi32, #tpu.memory_space<vmem>>
    %dma_start3A_313 = arith.constant 0 : i32
    %dma_start3A_314 = arith.constant 0 : i32
    %dma_start3A_315 = tpu.memref_slice %arg13[%dma_start3A_313, %dma_start3A_314] : memref<101009x16xf32, #tpu.memory_space<hbm>> -> memref<101009x16xf32, #tpu.memory_space<hbm>>
    tpu.enqueue_indirect_dma source(%dma_start3A_315 : memref<101009x16xf32, #tpu.memory_space<hbm>>) target(%dma_start3A_309 : memref<128x16xf32, #tpu.memory_space<vmem>>) offsets(%dma_start3A_312 : memref<128xi32, #tpu.memory_space<vmem>>) semaphore(%arg29 : memref<!tpu.dma_semaphore, #tpu.memory_space<semaphore_mem>>)
    %dma_start3A_316 = arith.constant 5 : i32
    %dma_start3A_317 = arith.constant 640 : i32
    %dma_start3A_318 = arith.constant 0 : i32
    %dma_start3A_319 = tpu.memref_slice %arg22[%dma_start3A_317, %dma_start3A_318] : memref<1664x16xf32, #tpu.memory_space<vmem>> -> memref<128x16xf32, #tpu.memory_space<vmem>>
    %dma_start3A_320 = arith.constant 0 : i32
    %dma_start3A_321 = tpu.memref_slice %arg19[%dma_start3A_316, %dma_start3A_320] : memref<13x128xi32, #tpu.memory_space<vmem>> -> memref<1x128xi32, #tpu.memory_space<vmem>>
    %dma_start3A_322 = tpu.memref_squeeze %dma_start3A_321 : memref<1x128xi32, #tpu.memory_space<vmem>> -> memref<128xi32, #tpu.memory_space<vmem>>
    %dma_start3A_323 = arith.constant 0 : i32
    %dma_start3A_324 = arith.constant 0 : i32
    %dma_start3A_325 = tpu.memref_slice %arg13[%dma_start3A_323, %dma_start3A_324] : memref<101009x16xf32, #tpu.memory_space<hbm>> -> memref<101009x16xf32, #tpu.memory_space<hbm>>
    tpu.enqueue_indirect_dma source(%dma_start3A_325 : memref<101009x16xf32, #tpu.memory_space<hbm>>) target(%dma_start3A_319 : memref<128x16xf32, #tpu.memory_space<vmem>>) offsets(%dma_start3A_322 : memref<128xi32, #tpu.memory_space<vmem>>) semaphore(%arg29 : memref<!tpu.dma_semaphore, #tpu.memory_space<semaphore_mem>>)
    %dma_start3A_326 = arith.constant 6 : i32
    %dma_start3A_327 = arith.constant 768 : i32
    %dma_start3A_328 = arith.constant 0 : i32
    %dma_start3A_329 = tpu.memref_slice %arg22[%dma_start3A_327, %dma_start3A_328] : memref<1664x16xf32, #tpu.memory_space<vmem>> -> memref<128x16xf32, #tpu.memory_space<vmem>>
    %dma_start3A_330 = arith.constant 0 : i32
    %dma_start3A_331 = tpu.memref_slice %arg19[%dma_start3A_326, %dma_start3A_330] : memref<13x128xi32, #tpu.memory_space<vmem>> -> memref<1x128xi32, #tpu.memory_space<vmem>>
    %dma_start3A_332 = tpu.memref_squeeze %dma_start3A_331 : memref<1x128xi32, #tpu.memory_space<vmem>> -> memref<128xi32, #tpu.memory_space<vmem>>
    %dma_start3A_333 = arith.constant 0 : i32
    %dma_start3A_334 = arith.constant 0 : i32
    %dma_start3A_335 = tpu.memref_slice %arg13[%dma_start3A_333, %dma_start3A_334] : memref<101009x16xf32, #tpu.memory_space<hbm>> -> memref<101009x16xf32, #tpu.memory_space<hbm>>
    tpu.enqueue_indirect_dma source(%dma_start3A_335 : memref<101009x16xf32, #tpu.memory_space<hbm>>) target(%dma_start3A_329 : memref<128x16xf32, #tpu.memory_space<vmem>>) offsets(%dma_start3A_332 : memref<128xi32, #tpu.memory_space<vmem>>) semaphore(%arg29 : memref<!tpu.dma_semaphore, #tpu.memory_space<semaphore_mem>>)
    %dma_start3A_336 = arith.constant 7 : i32
    %dma_start3A_337 = arith.constant 896 : i32
    %dma_start3A_338 = arith.constant 0 : i32
    %dma_start3A_339 = tpu.memref_slice %arg22[%dma_start3A_337, %dma_start3A_338] : memref<1664x16xf32, #tpu.memory_space<vmem>> -> memref<128x16xf32, #tpu.memory_space<vmem>>
    %dma_start3A_340 = arith.constant 0 : i32
    %dma_start3A_341 = tpu.memref_slice %arg19[%dma_start3A_336, %dma_start3A_340] : memref<13x128xi32, #tpu.memory_space<vmem>> -> memref<1x128xi32, #tpu.memory_space<vmem>>
    %dma_start3A_342 = tpu.memref_squeeze %dma_start3A_341 : memref<1x128xi32, #tpu.memory_space<vmem>> -> memref<128xi32, #tpu.memory_space<vmem>>
    %dma_start3A_343 = arith.constant 0 : i32
    %dma_start3A_344 = arith.constant 0 : i32
    %dma_start3A_345 = tpu.memref_slice %arg13[%dma_start3A_343, %dma_start3A_344] : memref<101009x16xf32, #tpu.memory_space<hbm>> -> memref<101009x16xf32, #tpu.memory_space<hbm>>
    tpu.enqueue_indirect_dma source(%dma_start3A_345 : memref<101009x16xf32, #tpu.memory_space<hbm>>) target(%dma_start3A_339 : memref<128x16xf32, #tpu.memory_space<vmem>>) offsets(%dma_start3A_342 : memref<128xi32, #tpu.memory_space<vmem>>) semaphore(%arg29 : memref<!tpu.dma_semaphore, #tpu.memory_space<semaphore_mem>>)
    %dma_start3A_346 = arith.constant 8 : i32
    %dma_start3A_347 = arith.constant 1024 : i32
    %dma_start3A_348 = arith.constant 0 : i32
    %dma_start3A_349 = tpu.memref_slice %arg22[%dma_start3A_347, %dma_start3A_348] : memref<1664x16xf32, #tpu.memory_space<vmem>> -> memref<128x16xf32, #tpu.memory_space<vmem>>
    %dma_start3A_350 = arith.constant 0 : i32
    %dma_start3A_351 = tpu.memref_slice %arg19[%dma_start3A_346, %dma_start3A_350] : memref<13x128xi32, #tpu.memory_space<vmem>> -> memref<1x128xi32, #tpu.memory_space<vmem>>
    %dma_start3A_352 = tpu.memref_squeeze %dma_start3A_351 : memref<1x128xi32, #tpu.memory_space<vmem>> -> memref<128xi32, #tpu.memory_space<vmem>>
    %dma_start3A_353 = arith.constant 0 : i32
    %dma_start3A_354 = arith.constant 0 : i32
    %dma_start3A_355 = tpu.memref_slice %arg13[%dma_start3A_353, %dma_start3A_354] : memref<101009x16xf32, #tpu.memory_space<hbm>> -> memref<101009x16xf32, #tpu.memory_space<hbm>>
    tpu.enqueue_indirect_dma source(%dma_start3A_355 : memref<101009x16xf32, #tpu.memory_space<hbm>>) target(%dma_start3A_349 : memref<128x16xf32, #tpu.memory_space<vmem>>) offsets(%dma_start3A_352 : memref<128xi32, #tpu.memory_space<vmem>>) semaphore(%arg29 : memref<!tpu.dma_semaphore, #tpu.memory_space<semaphore_mem>>)
    %dma_start3A_356 = arith.constant 9 : i32
    %dma_start3A_357 = arith.constant 1152 : i32
    %dma_start3A_358 = arith.constant 0 : i32
    %dma_start3A_359 = tpu.memref_slice %arg22[%dma_start3A_357, %dma_start3A_358] : memref<1664x16xf32, #tpu.memory_space<vmem>> -> memref<128x16xf32, #tpu.memory_space<vmem>>
    %dma_start3A_360 = arith.constant 0 : i32
    %dma_start3A_361 = tpu.memref_slice %arg19[%dma_start3A_356, %dma_start3A_360] : memref<13x128xi32, #tpu.memory_space<vmem>> -> memref<1x128xi32, #tpu.memory_space<vmem>>
    %dma_start3A_362 = tpu.memref_squeeze %dma_start3A_361 : memref<1x128xi32, #tpu.memory_space<vmem>> -> memref<128xi32, #tpu.memory_space<vmem>>
    %dma_start3A_363 = arith.constant 0 : i32
    %dma_start3A_364 = arith.constant 0 : i32
    %dma_start3A_365 = tpu.memref_slice %arg13[%dma_start3A_363, %dma_start3A_364] : memref<101009x16xf32, #tpu.memory_space<hbm>> -> memref<101009x16xf32, #tpu.memory_space<hbm>>
    tpu.enqueue_indirect_dma source(%dma_start3A_365 : memref<101009x16xf32, #tpu.memory_space<hbm>>) target(%dma_start3A_359 : memref<128x16xf32, #tpu.memory_space<vmem>>) offsets(%dma_start3A_362 : memref<128xi32, #tpu.memory_space<vmem>>) semaphore(%arg29 : memref<!tpu.dma_semaphore, #tpu.memory_space<semaphore_mem>>)
    %dma_start3A_366 = arith.constant 10 : i32
    %dma_start3A_367 = arith.constant 1280 : i32
    %dma_start3A_368 = arith.constant 0 : i32
    %dma_start3A_369 = tpu.memref_slice %arg22[%dma_start3A_367, %dma_start3A_368] : memref<1664x16xf32, #tpu.memory_space<vmem>> -> memref<128x16xf32, #tpu.memory_space<vmem>>
    %dma_start3A_370 = arith.constant 0 : i32
    %dma_start3A_371 = tpu.memref_slice %arg19[%dma_start3A_366, %dma_start3A_370] : memref<13x128xi32, #tpu.memory_space<vmem>> -> memref<1x128xi32, #tpu.memory_space<vmem>>
    %dma_start3A_372 = tpu.memref_squeeze %dma_start3A_371 : memref<1x128xi32, #tpu.memory_space<vmem>> -> memref<128xi32, #tpu.memory_space<vmem>>
    %dma_start3A_373 = arith.constant 0 : i32
    %dma_start3A_374 = arith.constant 0 : i32
    %dma_start3A_375 = tpu.memref_slice %arg13[%dma_start3A_373, %dma_start3A_374] : memref<101009x16xf32, #tpu.memory_space<hbm>> -> memref<101009x16xf32, #tpu.memory_space<hbm>>
    tpu.enqueue_indirect_dma source(%dma_start3A_375 : memref<101009x16xf32, #tpu.memory_space<hbm>>) target(%dma_start3A_369 : memref<128x16xf32, #tpu.memory_space<vmem>>) offsets(%dma_start3A_372 : memref<128xi32, #tpu.memory_space<vmem>>) semaphore(%arg29 : memref<!tpu.dma_semaphore, #tpu.memory_space<semaphore_mem>>)
    %dma_start3A_376 = arith.constant 11 : i32
    %dma_start3A_377 = arith.constant 1408 : i32
    %dma_start3A_378 = arith.constant 0 : i32
    %dma_start3A_379 = tpu.memref_slice %arg22[%dma_start3A_377, %dma_start3A_378] : memref<1664x16xf32, #tpu.memory_space<vmem>> -> memref<128x16xf32, #tpu.memory_space<vmem>>
    %dma_start3A_380 = arith.constant 0 : i32
    %dma_start3A_381 = tpu.memref_slice %arg19[%dma_start3A_376, %dma_start3A_380] : memref<13x128xi32, #tpu.memory_space<vmem>> -> memref<1x128xi32, #tpu.memory_space<vmem>>
    %dma_start3A_382 = tpu.memref_squeeze %dma_start3A_381 : memref<1x128xi32, #tpu.memory_space<vmem>> -> memref<128xi32, #tpu.memory_space<vmem>>
    %dma_start3A_383 = arith.constant 0 : i32
    %dma_start3A_384 = arith.constant 0 : i32
    %dma_start3A_385 = tpu.memref_slice %arg13[%dma_start3A_383, %dma_start3A_384] : memref<101009x16xf32, #tpu.memory_space<hbm>> -> memref<101009x16xf32, #tpu.memory_space<hbm>>
    tpu.enqueue_indirect_dma source(%dma_start3A_385 : memref<101009x16xf32, #tpu.memory_space<hbm>>) target(%dma_start3A_379 : memref<128x16xf32, #tpu.memory_space<vmem>>) offsets(%dma_start3A_382 : memref<128xi32, #tpu.memory_space<vmem>>) semaphore(%arg29 : memref<!tpu.dma_semaphore, #tpu.memory_space<semaphore_mem>>)
    %dma_start3A_386 = arith.constant 12 : i32
    %dma_start3A_387 = arith.constant 1536 : i32
    %dma_start3A_388 = arith.constant 0 : i32
    %dma_start3A_389 = tpu.memref_slice %arg22[%dma_start3A_387, %dma_start3A_388] : memref<1664x16xf32, #tpu.memory_space<vmem>> -> memref<128x16xf32, #tpu.memory_space<vmem>>
    %dma_start3A_390 = arith.constant 0 : i32
    %dma_start3A_391 = tpu.memref_slice %arg19[%dma_start3A_386, %dma_start3A_390] : memref<13x128xi32, #tpu.memory_space<vmem>> -> memref<1x128xi32, #tpu.memory_space<vmem>>
    %dma_start3A_392 = tpu.memref_squeeze %dma_start3A_391 : memref<1x128xi32, #tpu.memory_space<vmem>> -> memref<128xi32, #tpu.memory_space<vmem>>
    %dma_start3A_393 = arith.constant 0 : i32
    %dma_start3A_394 = arith.constant 0 : i32
    %dma_start3A_395 = tpu.memref_slice %arg13[%dma_start3A_393, %dma_start3A_394] : memref<101009x16xf32, #tpu.memory_space<hbm>> -> memref<101009x16xf32, #tpu.memory_space<hbm>>
    tpu.enqueue_indirect_dma source(%dma_start3A_395 : memref<101009x16xf32, #tpu.memory_space<hbm>>) target(%dma_start3A_389 : memref<128x16xf32, #tpu.memory_space<vmem>>) offsets(%dma_start3A_392 : memref<128xi32, #tpu.memory_space<vmem>>) semaphore(%arg29 : memref<!tpu.dma_semaphore, #tpu.memory_space<semaphore_mem>>)
    "tpu.region"() ({
      %run_scoped3A = tpu.sem_alloc : memref<!tpu.dma_semaphore, #tpu.memory_space<semaphore_mem>>
      %dma_start3A_810 = arith.constant 0 : i32
      %dma_start3A_811 = arith.constant 0 : i32
      %dma_start3A_812 = tpu.memref_slice %arg6[%add3A, %dma_start3A_810, %dma_start3A_811] : memref<32x1600x4xf32, #tpu.memory_space<hbm>> -> memref<1x1600x4xf32, #tpu.memory_space<hbm>>
      %dma_start3A_813 = tpu.memref_squeeze %dma_start3A_812 : memref<1x1600x4xf32, #tpu.memory_space<hbm>> -> memref<1600x4xf32, #tpu.memory_space<hbm>>
      %dma_start3A_814 = arith.constant 0 : i32
      %dma_start3A_815 = arith.constant 0 : i32
      %dma_start3A_816 = tpu.memref_slice %arg6[%add3A, %dma_start3A_814, %dma_start3A_815] : memref<32x1600x4xf32, #tpu.memory_space<hbm>> -> memref<1x1600x4xf32, #tpu.memory_space<hbm>>
      %dma_start3A_817 = tpu.memref_squeeze %dma_start3A_816 : memref<1x1600x4xf32, #tpu.memory_space<hbm>> -> memref<1600x4xf32, #tpu.memory_space<hbm>>
      tpu.enqueue_dma source(%dma_start3A_817 : memref<1600x4xf32, #tpu.memory_space<hbm>>) target(%arg28 : memref<1600x4xf32, #tpu.memory_space<vmem>>) target_semaphore(%run_scoped3A : memref<!tpu.dma_semaphore, #tpu.memory_space<semaphore_mem>>)
      %dma_wait3A_818 = arith.constant 0 : i32
      %dma_wait3A_819 = arith.constant 0 : i32
      %dma_wait3A_820 = tpu.memref_slice %arg6[%add3A, %dma_wait3A_818, %dma_wait3A_819] : memref<32x1600x4xf32, #tpu.memory_space<hbm>> -> memref<1x1600x4xf32, #tpu.memory_space<hbm>>
      %dma_wait3A_821 = tpu.memref_squeeze %dma_wait3A_820 : memref<1x1600x4xf32, #tpu.memory_space<hbm>> -> memref<1600x4xf32, #tpu.memory_space<hbm>>
      %dma_wait3A_822 = arith.constant 0 : i32
      %dma_wait3A_823 = arith.constant 0 : i32
      %dma_wait3A_824 = tpu.memref_slice %arg6[%add3A, %dma_wait3A_822, %dma_wait3A_823] : memref<32x1600x4xf32, #tpu.memory_space<hbm>> -> memref<1x1600x4xf32, #tpu.memory_space<hbm>>
      %dma_wait3A_825 = tpu.memref_squeeze %dma_wait3A_824 : memref<1x1600x4xf32, #tpu.memory_space<hbm>> -> memref<1600x4xf32, #tpu.memory_space<hbm>>
      tpu.wait_dma2 semaphore(%run_scoped3A : memref<!tpu.dma_semaphore, #tpu.memory_space<semaphore_mem>>) src(%dma_wait3A_825 : memref<1600x4xf32, #tpu.memory_space<hbm>>) dst(%arg28 : memref<1600x4xf32, #tpu.memory_space<vmem>>)
      tpu.yield
    }) : () -> ()
    "tpu.region"() ({
      %run_scoped3A = tpu.sem_alloc : memref<!tpu.dma_semaphore, #tpu.memory_space<semaphore_mem>>
      %dma_start3A_810 = arith.constant 0 : i32
      %dma_start3A_811 = tpu.memref_slice %arg8[%add3A, %dma_start3A_810] : memref<32x1568xf32, #tpu.memory_space<hbm>> -> memref<1x1568xf32, #tpu.memory_space<hbm>>
      %dma_start3A_812 = tpu.memref_squeeze %dma_start3A_811 : memref<1x1568xf32, #tpu.memory_space<hbm>> -> memref<1568xf32, #tpu.memory_space<hbm>>
      %dma_start3A_813 = arith.constant 0 : i32
      %dma_start3A_814 = tpu.memref_slice %arg8[%add3A, %dma_start3A_813] : memref<32x1568xf32, #tpu.memory_space<hbm>> -> memref<1x1568xf32, #tpu.memory_space<hbm>>
      %dma_start3A_815 = tpu.memref_squeeze %dma_start3A_814 : memref<1x1568xf32, #tpu.memory_space<hbm>> -> memref<1568xf32, #tpu.memory_space<hbm>>
      tpu.enqueue_dma source(%dma_start3A_815 : memref<1568xf32, #tpu.memory_space<hbm>>) target(%arg27 : memref<1568xf32, #tpu.memory_space<vmem>>) target_semaphore(%run_scoped3A : memref<!tpu.dma_semaphore, #tpu.memory_space<semaphore_mem>>)
      %dma_wait3A_816 = arith.constant 0 : i32
      %dma_wait3A_817 = tpu.memref_slice %arg8[%add3A, %dma_wait3A_816] : memref<32x1568xf32, #tpu.memory_space<hbm>> -> memref<1x1568xf32, #tpu.memory_space<hbm>>
      %dma_wait3A_818 = tpu.memref_squeeze %dma_wait3A_817 : memref<1x1568xf32, #tpu.memory_space<hbm>> -> memref<1568xf32, #tpu.memory_space<hbm>>
      %dma_wait3A_819 = arith.constant 0 : i32
      %dma_wait3A_820 = tpu.memref_slice %arg8[%add3A, %dma_wait3A_819] : memref<32x1568xf32, #tpu.memory_space<hbm>> -> memref<1x1568xf32, #tpu.memory_space<hbm>>
      %dma_wait3A_821 = tpu.memref_squeeze %dma_wait3A_820 : memref<1x1568xf32, #tpu.memory_space<hbm>> -> memref<1568xf32, #tpu.memory_space<hbm>>
      tpu.wait_dma2 semaphore(%run_scoped3A : memref<!tpu.dma_semaphore, #tpu.memory_space<semaphore_mem>>) src(%dma_wait3A_821 : memref<1568xf32, #tpu.memory_space<hbm>>) dst(%arg27 : memref<1568xf32, #tpu.memory_space<vmem>>)
      tpu.yield
    }) : () -> ()
    %mul3A_396 = arith.constant 1600 : i32
    %mul3A_397 = arith.muli %add3A, %mul3A_396 : i32
    "tpu.region"() ({
      %run_scoped3A = tpu.sem_alloc : memref<!tpu.dma_semaphore, #tpu.memory_space<semaphore_mem>>
      %dma_start3A_810 = arith.constant 24 : i32
      %dma_start3A_811 = tpu.memref_slice %arg15[%mul3A_397, %dma_start3A_810] : memref<51200x28xf32, #tpu.memory_space<hbm>> -> memref<1600x4xf32, #tpu.memory_space<hbm>>
      %dma_start3A_812 = arith.constant 24 : i32
      %dma_start3A_813 = tpu.memref_slice %arg15[%mul3A_397, %dma_start3A_812] : memref<51200x28xf32, #tpu.memory_space<hbm>> -> memref<1600x4xf32, #tpu.memory_space<hbm>>
      tpu.enqueue_dma source(%arg28 : memref<1600x4xf32, #tpu.memory_space<vmem>>) target(%dma_start3A_813 : memref<1600x4xf32, #tpu.memory_space<hbm>>) target_semaphore(%run_scoped3A : memref<!tpu.dma_semaphore, #tpu.memory_space<semaphore_mem>>)
      %dma_wait3A_814 = arith.constant 24 : i32
      %dma_wait3A_815 = tpu.memref_slice %arg15[%mul3A_397, %dma_wait3A_814] : memref<51200x28xf32, #tpu.memory_space<hbm>> -> memref<1600x4xf32, #tpu.memory_space<hbm>>
      %dma_wait3A_816 = arith.constant 24 : i32
      %dma_wait3A_817 = tpu.memref_slice %arg15[%mul3A_397, %dma_wait3A_816] : memref<51200x28xf32, #tpu.memory_space<hbm>> -> memref<1600x4xf32, #tpu.memory_space<hbm>>
      tpu.wait_dma2 semaphore(%run_scoped3A : memref<!tpu.dma_semaphore, #tpu.memory_space<semaphore_mem>>) src(%arg28 : memref<1600x4xf32, #tpu.memory_space<vmem>>) dst(%dma_wait3A_817 : memref<1600x4xf32, #tpu.memory_space<hbm>>)
      tpu.yield
    }) : () -> ()
    %dma_wait3A = arith.constant 0 : i32
    %dma_wait3A_398 = arith.constant 0 : i32
    %dma_wait3A_399 = tpu.memref_slice %arg9[%dma_wait3A, %dma_wait3A_398] : memref<2312x8xf32, #tpu.memory_space<hbm>> -> memref<2312x8xf32, #tpu.memory_space<hbm>>
    tpu.wait_indirect_dma semaphore(%arg29 : memref<!tpu.dma_semaphore, #tpu.memory_space<semaphore_mem>>) src(%dma_wait3A_399 : memref<2312x8xf32, #tpu.memory_space<hbm>>) dst(%arg25 : memref<32x8xf32, #tpu.memory_space<vmem>>)
    %mul3A_400 = arith.constant 32 : i32
    %mul3A_401 = arith.muli %add3A, %mul3A_400 : i32
    "tpu.region"() ({
      %run_scoped3A = tpu.sem_alloc : memref<!tpu.dma_semaphore, #tpu.memory_space<semaphore_mem>>
      %dma_start3A_810 = arith.constant 0 : i32
      %dma_start3A_811 = tpu.memref_slice %arg14[%mul3A_401, %dma_start3A_810] : memref<1024x24xf32, #tpu.memory_space<hbm>> -> memref<32x8xf32, #tpu.memory_space<hbm>>
      %dma_start3A_812 = arith.constant 0 : i32
      %dma_start3A_813 = tpu.memref_slice %arg14[%mul3A_401, %dma_start3A_812] : memref<1024x24xf32, #tpu.memory_space<hbm>> -> memref<32x8xf32, #tpu.memory_space<hbm>>
      tpu.enqueue_dma source(%arg25 : memref<32x8xf32, #tpu.memory_space<vmem>>) target(%dma_start3A_813 : memref<32x8xf32, #tpu.memory_space<hbm>>) target_semaphore(%run_scoped3A : memref<!tpu.dma_semaphore, #tpu.memory_space<semaphore_mem>>)
      %dma_wait3A_814 = arith.constant 0 : i32
      %dma_wait3A_815 = tpu.memref_slice %arg14[%mul3A_401, %dma_wait3A_814] : memref<1024x24xf32, #tpu.memory_space<hbm>> -> memref<32x8xf32, #tpu.memory_space<hbm>>
      %dma_wait3A_816 = arith.constant 0 : i32
      %dma_wait3A_817 = tpu.memref_slice %arg14[%mul3A_401, %dma_wait3A_816] : memref<1024x24xf32, #tpu.memory_space<hbm>> -> memref<32x8xf32, #tpu.memory_space<hbm>>
      tpu.wait_dma2 semaphore(%run_scoped3A : memref<!tpu.dma_semaphore, #tpu.memory_space<semaphore_mem>>) src(%arg25 : memref<32x8xf32, #tpu.memory_space<vmem>>) dst(%dma_wait3A_817 : memref<32x8xf32, #tpu.memory_space<hbm>>)
      tpu.yield
    }) : () -> ()
    %dma_wait3A_402 = arith.constant 0 : i32
    %dma_wait3A_403 = arith.constant 0 : i32
    %dma_wait3A_404 = tpu.memref_slice %arg10[%dma_wait3A_402, %dma_wait3A_403] : memref<200141x16xf32, #tpu.memory_space<hbm>> -> memref<200141x16xf32, #tpu.memory_space<hbm>>
    tpu.wait_indirect_dma semaphore(%arg29 : memref<!tpu.dma_semaphore, #tpu.memory_space<semaphore_mem>>) src(%dma_wait3A_404 : memref<200141x16xf32, #tpu.memory_space<hbm>>) dst(%arg26 : memref<32x16xf32, #tpu.memory_space<vmem>>)
    %mul3A_405 = arith.constant 32 : i32
    %mul3A_406 = arith.muli %add3A, %mul3A_405 : i32
    "tpu.region"() ({
      %run_scoped3A = tpu.sem_alloc : memref<!tpu.dma_semaphore, #tpu.memory_space<semaphore_mem>>
      %dma_start3A_810 = arith.constant 8 : i32
      %dma_start3A_811 = tpu.memref_slice %arg14[%mul3A_406, %dma_start3A_810] : memref<1024x24xf32, #tpu.memory_space<hbm>> -> memref<32x16xf32, #tpu.memory_space<hbm>>
      %dma_start3A_812 = arith.constant 8 : i32
      %dma_start3A_813 = tpu.memref_slice %arg14[%mul3A_406, %dma_start3A_812] : memref<1024x24xf32, #tpu.memory_space<hbm>> -> memref<32x16xf32, #tpu.memory_space<hbm>>
      tpu.enqueue_dma source(%arg26 : memref<32x16xf32, #tpu.memory_space<vmem>>) target(%dma_start3A_813 : memref<32x16xf32, #tpu.memory_space<hbm>>) target_semaphore(%run_scoped3A : memref<!tpu.dma_semaphore, #tpu.memory_space<semaphore_mem>>)
      %dma_wait3A_814 = arith.constant 8 : i32
      %dma_wait3A_815 = tpu.memref_slice %arg14[%mul3A_406, %dma_wait3A_814] : memref<1024x24xf32, #tpu.memory_space<hbm>> -> memref<32x16xf32, #tpu.memory_space<hbm>>
      %dma_wait3A_816 = arith.constant 8 : i32
      %dma_wait3A_817 = tpu.memref_slice %arg14[%mul3A_406, %dma_wait3A_816] : memref<1024x24xf32, #tpu.memory_space<hbm>> -> memref<32x16xf32, #tpu.memory_space<hbm>>
      tpu.wait_dma2 semaphore(%run_scoped3A : memref<!tpu.dma_semaphore, #tpu.memory_space<semaphore_mem>>) src(%arg26 : memref<32x16xf32, #tpu.memory_space<vmem>>) dst(%dma_wait3A_817 : memref<32x16xf32, #tpu.memory_space<hbm>>)
      tpu.yield
    }) : () -> ()
    %dma_wait3A_407 = arith.constant 0 : i32
    %dma_wait3A_408 = arith.constant 0 : i32
    %dma_wait3A_409 = arith.constant 0 : i32
    %dma_wait3A_410 = tpu.memref_slice %arg20[%dma_wait3A_408, %dma_wait3A_409] : memref<1664x16xf32, #tpu.memory_space<vmem>> -> memref<128x16xf32, #tpu.memory_space<vmem>>
    %dma_wait3A_411 = arith.constant 0 : i32
    %dma_wait3A_412 = tpu.memref_slice %arg17[%dma_wait3A_407, %dma_wait3A_411] : memref<13x128xi32, #tpu.memory_space<vmem>> -> memref<1x128xi32, #tpu.memory_space<vmem>>
    %dma_wait3A_413 = tpu.memref_squeeze %dma_wait3A_412 : memref<1x128xi32, #tpu.memory_space<vmem>> -> memref<128xi32, #tpu.memory_space<vmem>>
    %dma_wait3A_414 = arith.constant 0 : i32
    %dma_wait3A_415 = arith.constant 0 : i32
    %dma_wait3A_416 = tpu.memref_slice %arg11[%dma_wait3A_414, %dma_wait3A_415] : memref<1376567x16xf32, #tpu.memory_space<hbm>> -> memref<1376567x16xf32, #tpu.memory_space<hbm>>
    tpu.wait_indirect_dma semaphore(%arg29 : memref<!tpu.dma_semaphore, #tpu.memory_space<semaphore_mem>>) src(%dma_wait3A_416 : memref<1376567x16xf32, #tpu.memory_space<hbm>>) dst(%dma_wait3A_410 : memref<128x16xf32, #tpu.memory_space<vmem>>)
    %dma_wait3A_417 = arith.constant 1 : i32
    %dma_wait3A_418 = arith.constant 128 : i32
    %dma_wait3A_419 = arith.constant 0 : i32
    %dma_wait3A_420 = tpu.memref_slice %arg20[%dma_wait3A_418, %dma_wait3A_419] : memref<1664x16xf32, #tpu.memory_space<vmem>> -> memref<128x16xf32, #tpu.memory_space<vmem>>
    %dma_wait3A_421 = arith.constant 0 : i32
    %dma_wait3A_422 = tpu.memref_slice %arg17[%dma_wait3A_417, %dma_wait3A_421] : memref<13x128xi32, #tpu.memory_space<vmem>> -> memref<1x128xi32, #tpu.memory_space<vmem>>
    %dma_wait3A_423 = tpu.memref_squeeze %dma_wait3A_422 : memref<1x128xi32, #tpu.memory_space<vmem>> -> memref<128xi32, #tpu.memory_space<vmem>>
    %dma_wait3A_424 = arith.constant 0 : i32
    %dma_wait3A_425 = arith.constant 0 : i32
    %dma_wait3A_426 = tpu.memref_slice %arg11[%dma_wait3A_424, %dma_wait3A_425] : memref<1376567x16xf32, #tpu.memory_space<hbm>> -> memref<1376567x16xf32, #tpu.memory_space<hbm>>
    tpu.wait_indirect_dma semaphore(%arg29 : memref<!tpu.dma_semaphore, #tpu.memory_space<semaphore_mem>>) src(%dma_wait3A_426 : memref<1376567x16xf32, #tpu.memory_space<hbm>>) dst(%dma_wait3A_420 : memref<128x16xf32, #tpu.memory_space<vmem>>)
    %dma_wait3A_427 = arith.constant 2 : i32
    %dma_wait3A_428 = arith.constant 256 : i32
    %dma_wait3A_429 = arith.constant 0 : i32
    %dma_wait3A_430 = tpu.memref_slice %arg20[%dma_wait3A_428, %dma_wait3A_429] : memref<1664x16xf32, #tpu.memory_space<vmem>> -> memref<128x16xf32, #tpu.memory_space<vmem>>
    %dma_wait3A_431 = arith.constant 0 : i32
    %dma_wait3A_432 = tpu.memref_slice %arg17[%dma_wait3A_427, %dma_wait3A_431] : memref<13x128xi32, #tpu.memory_space<vmem>> -> memref<1x128xi32, #tpu.memory_space<vmem>>
    %dma_wait3A_433 = tpu.memref_squeeze %dma_wait3A_432 : memref<1x128xi32, #tpu.memory_space<vmem>> -> memref<128xi32, #tpu.memory_space<vmem>>
    %dma_wait3A_434 = arith.constant 0 : i32
    %dma_wait3A_435 = arith.constant 0 : i32
    %dma_wait3A_436 = tpu.memref_slice %arg11[%dma_wait3A_434, %dma_wait3A_435] : memref<1376567x16xf32, #tpu.memory_space<hbm>> -> memref<1376567x16xf32, #tpu.memory_space<hbm>>
    tpu.wait_indirect_dma semaphore(%arg29 : memref<!tpu.dma_semaphore, #tpu.memory_space<semaphore_mem>>) src(%dma_wait3A_436 : memref<1376567x16xf32, #tpu.memory_space<hbm>>) dst(%dma_wait3A_430 : memref<128x16xf32, #tpu.memory_space<vmem>>)
    %dma_wait3A_437 = arith.constant 3 : i32
    %dma_wait3A_438 = arith.constant 384 : i32
    %dma_wait3A_439 = arith.constant 0 : i32
    %dma_wait3A_440 = tpu.memref_slice %arg20[%dma_wait3A_438, %dma_wait3A_439] : memref<1664x16xf32, #tpu.memory_space<vmem>> -> memref<128x16xf32, #tpu.memory_space<vmem>>
    %dma_wait3A_441 = arith.constant 0 : i32
    %dma_wait3A_442 = tpu.memref_slice %arg17[%dma_wait3A_437, %dma_wait3A_441] : memref<13x128xi32, #tpu.memory_space<vmem>> -> memref<1x128xi32, #tpu.memory_space<vmem>>
    %dma_wait3A_443 = tpu.memref_squeeze %dma_wait3A_442 : memref<1x128xi32, #tpu.memory_space<vmem>> -> memref<128xi32, #tpu.memory_space<vmem>>
    %dma_wait3A_444 = arith.constant 0 : i32
    %dma_wait3A_445 = arith.constant 0 : i32
    %dma_wait3A_446 = tpu.memref_slice %arg11[%dma_wait3A_444, %dma_wait3A_445] : memref<1376567x16xf32, #tpu.memory_space<hbm>> -> memref<1376567x16xf32, #tpu.memory_space<hbm>>
    tpu.wait_indirect_dma semaphore(%arg29 : memref<!tpu.dma_semaphore, #tpu.memory_space<semaphore_mem>>) src(%dma_wait3A_446 : memref<1376567x16xf32, #tpu.memory_space<hbm>>) dst(%dma_wait3A_440 : memref<128x16xf32, #tpu.memory_space<vmem>>)
    %dma_wait3A_447 = arith.constant 4 : i32
    %dma_wait3A_448 = arith.constant 512 : i32
    %dma_wait3A_449 = arith.constant 0 : i32
    %dma_wait3A_450 = tpu.memref_slice %arg20[%dma_wait3A_448, %dma_wait3A_449] : memref<1664x16xf32, #tpu.memory_space<vmem>> -> memref<128x16xf32, #tpu.memory_space<vmem>>
    %dma_wait3A_451 = arith.constant 0 : i32
    %dma_wait3A_452 = tpu.memref_slice %arg17[%dma_wait3A_447, %dma_wait3A_451] : memref<13x128xi32, #tpu.memory_space<vmem>> -> memref<1x128xi32, #tpu.memory_space<vmem>>
    %dma_wait3A_453 = tpu.memref_squeeze %dma_wait3A_452 : memref<1x128xi32, #tpu.memory_space<vmem>> -> memref<128xi32, #tpu.memory_space<vmem>>
    %dma_wait3A_454 = arith.constant 0 : i32
    %dma_wait3A_455 = arith.constant 0 : i32
    %dma_wait3A_456 = tpu.memref_slice %arg11[%dma_wait3A_454, %dma_wait3A_455] : memref<1376567x16xf32, #tpu.memory_space<hbm>> -> memref<1376567x16xf32, #tpu.memory_space<hbm>>
    tpu.wait_indirect_dma semaphore(%arg29 : memref<!tpu.dma_semaphore, #tpu.memory_space<semaphore_mem>>) src(%dma_wait3A_456 : memref<1376567x16xf32, #tpu.memory_space<hbm>>) dst(%dma_wait3A_450 : memref<128x16xf32, #tpu.memory_space<vmem>>)
    %dma_wait3A_457 = arith.constant 5 : i32
    %dma_wait3A_458 = arith.constant 640 : i32
    %dma_wait3A_459 = arith.constant 0 : i32
    %dma_wait3A_460 = tpu.memref_slice %arg20[%dma_wait3A_458, %dma_wait3A_459] : memref<1664x16xf32, #tpu.memory_space<vmem>> -> memref<128x16xf32, #tpu.memory_space<vmem>>
    %dma_wait3A_461 = arith.constant 0 : i32
    %dma_wait3A_462 = tpu.memref_slice %arg17[%dma_wait3A_457, %dma_wait3A_461] : memref<13x128xi32, #tpu.memory_space<vmem>> -> memref<1x128xi32, #tpu.memory_space<vmem>>
    %dma_wait3A_463 = tpu.memref_squeeze %dma_wait3A_462 : memref<1x128xi32, #tpu.memory_space<vmem>> -> memref<128xi32, #tpu.memory_space<vmem>>
    %dma_wait3A_464 = arith.constant 0 : i32
    %dma_wait3A_465 = arith.constant 0 : i32
    %dma_wait3A_466 = tpu.memref_slice %arg11[%dma_wait3A_464, %dma_wait3A_465] : memref<1376567x16xf32, #tpu.memory_space<hbm>> -> memref<1376567x16xf32, #tpu.memory_space<hbm>>
    tpu.wait_indirect_dma semaphore(%arg29 : memref<!tpu.dma_semaphore, #tpu.memory_space<semaphore_mem>>) src(%dma_wait3A_466 : memref<1376567x16xf32, #tpu.memory_space<hbm>>) dst(%dma_wait3A_460 : memref<128x16xf32, #tpu.memory_space<vmem>>)
    %dma_wait3A_467 = arith.constant 6 : i32
    %dma_wait3A_468 = arith.constant 768 : i32
    %dma_wait3A_469 = arith.constant 0 : i32
    %dma_wait3A_470 = tpu.memref_slice %arg20[%dma_wait3A_468, %dma_wait3A_469] : memref<1664x16xf32, #tpu.memory_space<vmem>> -> memref<128x16xf32, #tpu.memory_space<vmem>>
    %dma_wait3A_471 = arith.constant 0 : i32
    %dma_wait3A_472 = tpu.memref_slice %arg17[%dma_wait3A_467, %dma_wait3A_471] : memref<13x128xi32, #tpu.memory_space<vmem>> -> memref<1x128xi32, #tpu.memory_space<vmem>>
    %dma_wait3A_473 = tpu.memref_squeeze %dma_wait3A_472 : memref<1x128xi32, #tpu.memory_space<vmem>> -> memref<128xi32, #tpu.memory_space<vmem>>
    %dma_wait3A_474 = arith.constant 0 : i32
    %dma_wait3A_475 = arith.constant 0 : i32
    %dma_wait3A_476 = tpu.memref_slice %arg11[%dma_wait3A_474, %dma_wait3A_475] : memref<1376567x16xf32, #tpu.memory_space<hbm>> -> memref<1376567x16xf32, #tpu.memory_space<hbm>>
    tpu.wait_indirect_dma semaphore(%arg29 : memref<!tpu.dma_semaphore, #tpu.memory_space<semaphore_mem>>) src(%dma_wait3A_476 : memref<1376567x16xf32, #tpu.memory_space<hbm>>) dst(%dma_wait3A_470 : memref<128x16xf32, #tpu.memory_space<vmem>>)
    %dma_wait3A_477 = arith.constant 7 : i32
    %dma_wait3A_478 = arith.constant 896 : i32
    %dma_wait3A_479 = arith.constant 0 : i32
    %dma_wait3A_480 = tpu.memref_slice %arg20[%dma_wait3A_478, %dma_wait3A_479] : memref<1664x16xf32, #tpu.memory_space<vmem>> -> memref<128x16xf32, #tpu.memory_space<vmem>>
    %dma_wait3A_481 = arith.constant 0 : i32
    %dma_wait3A_482 = tpu.memref_slice %arg17[%dma_wait3A_477, %dma_wait3A_481] : memref<13x128xi32, #tpu.memory_space<vmem>> -> memref<1x128xi32, #tpu.memory_space<vmem>>
    %dma_wait3A_483 = tpu.memref_squeeze %dma_wait3A_482 : memref<1x128xi32, #tpu.memory_space<vmem>> -> memref<128xi32, #tpu.memory_space<vmem>>
    %dma_wait3A_484 = arith.constant 0 : i32
    %dma_wait3A_485 = arith.constant 0 : i32
    %dma_wait3A_486 = tpu.memref_slice %arg11[%dma_wait3A_484, %dma_wait3A_485] : memref<1376567x16xf32, #tpu.memory_space<hbm>> -> memref<1376567x16xf32, #tpu.memory_space<hbm>>
    tpu.wait_indirect_dma semaphore(%arg29 : memref<!tpu.dma_semaphore, #tpu.memory_space<semaphore_mem>>) src(%dma_wait3A_486 : memref<1376567x16xf32, #tpu.memory_space<hbm>>) dst(%dma_wait3A_480 : memref<128x16xf32, #tpu.memory_space<vmem>>)
    %dma_wait3A_487 = arith.constant 8 : i32
    %dma_wait3A_488 = arith.constant 1024 : i32
    %dma_wait3A_489 = arith.constant 0 : i32
    %dma_wait3A_490 = tpu.memref_slice %arg20[%dma_wait3A_488, %dma_wait3A_489] : memref<1664x16xf32, #tpu.memory_space<vmem>> -> memref<128x16xf32, #tpu.memory_space<vmem>>
    %dma_wait3A_491 = arith.constant 0 : i32
    %dma_wait3A_492 = tpu.memref_slice %arg17[%dma_wait3A_487, %dma_wait3A_491] : memref<13x128xi32, #tpu.memory_space<vmem>> -> memref<1x128xi32, #tpu.memory_space<vmem>>
    %dma_wait3A_493 = tpu.memref_squeeze %dma_wait3A_492 : memref<1x128xi32, #tpu.memory_space<vmem>> -> memref<128xi32, #tpu.memory_space<vmem>>
    %dma_wait3A_494 = arith.constant 0 : i32
    %dma_wait3A_495 = arith.constant 0 : i32
    %dma_wait3A_496 = tpu.memref_slice %arg11[%dma_wait3A_494, %dma_wait3A_495] : memref<1376567x16xf32, #tpu.memory_space<hbm>> -> memref<1376567x16xf32, #tpu.memory_space<hbm>>
    tpu.wait_indirect_dma semaphore(%arg29 : memref<!tpu.dma_semaphore, #tpu.memory_space<semaphore_mem>>) src(%dma_wait3A_496 : memref<1376567x16xf32, #tpu.memory_space<hbm>>) dst(%dma_wait3A_490 : memref<128x16xf32, #tpu.memory_space<vmem>>)
    %dma_wait3A_497 = arith.constant 9 : i32
    %dma_wait3A_498 = arith.constant 1152 : i32
    %dma_wait3A_499 = arith.constant 0 : i32
    %dma_wait3A_500 = tpu.memref_slice %arg20[%dma_wait3A_498, %dma_wait3A_499] : memref<1664x16xf32, #tpu.memory_space<vmem>> -> memref<128x16xf32, #tpu.memory_space<vmem>>
    %dma_wait3A_501 = arith.constant 0 : i32
    %dma_wait3A_502 = tpu.memref_slice %arg17[%dma_wait3A_497, %dma_wait3A_501] : memref<13x128xi32, #tpu.memory_space<vmem>> -> memref<1x128xi32, #tpu.memory_space<vmem>>
    %dma_wait3A_503 = tpu.memref_squeeze %dma_wait3A_502 : memref<1x128xi32, #tpu.memory_space<vmem>> -> memref<128xi32, #tpu.memory_space<vmem>>
    %dma_wait3A_504 = arith.constant 0 : i32
    %dma_wait3A_505 = arith.constant 0 : i32
    %dma_wait3A_506 = tpu.memref_slice %arg11[%dma_wait3A_504, %dma_wait3A_505] : memref<1376567x16xf32, #tpu.memory_space<hbm>> -> memref<1376567x16xf32, #tpu.memory_space<hbm>>
    tpu.wait_indirect_dma semaphore(%arg29 : memref<!tpu.dma_semaphore, #tpu.memory_space<semaphore_mem>>) src(%dma_wait3A_506 : memref<1376567x16xf32, #tpu.memory_space<hbm>>) dst(%dma_wait3A_500 : memref<128x16xf32, #tpu.memory_space<vmem>>)
    %dma_wait3A_507 = arith.constant 10 : i32
    %dma_wait3A_508 = arith.constant 1280 : i32
    %dma_wait3A_509 = arith.constant 0 : i32
    %dma_wait3A_510 = tpu.memref_slice %arg20[%dma_wait3A_508, %dma_wait3A_509] : memref<1664x16xf32, #tpu.memory_space<vmem>> -> memref<128x16xf32, #tpu.memory_space<vmem>>
    %dma_wait3A_511 = arith.constant 0 : i32
    %dma_wait3A_512 = tpu.memref_slice %arg17[%dma_wait3A_507, %dma_wait3A_511] : memref<13x128xi32, #tpu.memory_space<vmem>> -> memref<1x128xi32, #tpu.memory_space<vmem>>
    %dma_wait3A_513 = tpu.memref_squeeze %dma_wait3A_512 : memref<1x128xi32, #tpu.memory_space<vmem>> -> memref<128xi32, #tpu.memory_space<vmem>>
    %dma_wait3A_514 = arith.constant 0 : i32
    %dma_wait3A_515 = arith.constant 0 : i32
    %dma_wait3A_516 = tpu.memref_slice %arg11[%dma_wait3A_514, %dma_wait3A_515] : memref<1376567x16xf32, #tpu.memory_space<hbm>> -> memref<1376567x16xf32, #tpu.memory_space<hbm>>
    tpu.wait_indirect_dma semaphore(%arg29 : memref<!tpu.dma_semaphore, #tpu.memory_space<semaphore_mem>>) src(%dma_wait3A_516 : memref<1376567x16xf32, #tpu.memory_space<hbm>>) dst(%dma_wait3A_510 : memref<128x16xf32, #tpu.memory_space<vmem>>)
    %dma_wait3A_517 = arith.constant 11 : i32
    %dma_wait3A_518 = arith.constant 1408 : i32
    %dma_wait3A_519 = arith.constant 0 : i32
    %dma_wait3A_520 = tpu.memref_slice %arg20[%dma_wait3A_518, %dma_wait3A_519] : memref<1664x16xf32, #tpu.memory_space<vmem>> -> memref<128x16xf32, #tpu.memory_space<vmem>>
    %dma_wait3A_521 = arith.constant 0 : i32
    %dma_wait3A_522 = tpu.memref_slice %arg17[%dma_wait3A_517, %dma_wait3A_521] : memref<13x128xi32, #tpu.memory_space<vmem>> -> memref<1x128xi32, #tpu.memory_space<vmem>>
    %dma_wait3A_523 = tpu.memref_squeeze %dma_wait3A_522 : memref<1x128xi32, #tpu.memory_space<vmem>> -> memref<128xi32, #tpu.memory_space<vmem>>
    %dma_wait3A_524 = arith.constant 0 : i32
    %dma_wait3A_525 = arith.constant 0 : i32
    %dma_wait3A_526 = tpu.memref_slice %arg11[%dma_wait3A_524, %dma_wait3A_525] : memref<1376567x16xf32, #tpu.memory_space<hbm>> -> memref<1376567x16xf32, #tpu.memory_space<hbm>>
    tpu.wait_indirect_dma semaphore(%arg29 : memref<!tpu.dma_semaphore, #tpu.memory_space<semaphore_mem>>) src(%dma_wait3A_526 : memref<1376567x16xf32, #tpu.memory_space<hbm>>) dst(%dma_wait3A_520 : memref<128x16xf32, #tpu.memory_space<vmem>>)
    %dma_wait3A_527 = arith.constant 12 : i32
    %dma_wait3A_528 = arith.constant 1536 : i32
    %dma_wait3A_529 = arith.constant 0 : i32
    %dma_wait3A_530 = tpu.memref_slice %arg20[%dma_wait3A_528, %dma_wait3A_529] : memref<1664x16xf32, #tpu.memory_space<vmem>> -> memref<128x16xf32, #tpu.memory_space<vmem>>
    %dma_wait3A_531 = arith.constant 0 : i32
    %dma_wait3A_532 = tpu.memref_slice %arg17[%dma_wait3A_527, %dma_wait3A_531] : memref<13x128xi32, #tpu.memory_space<vmem>> -> memref<1x128xi32, #tpu.memory_space<vmem>>
    %dma_wait3A_533 = tpu.memref_squeeze %dma_wait3A_532 : memref<1x128xi32, #tpu.memory_space<vmem>> -> memref<128xi32, #tpu.memory_space<vmem>>
    %dma_wait3A_534 = arith.constant 0 : i32
    %dma_wait3A_535 = arith.constant 0 : i32
    %dma_wait3A_536 = tpu.memref_slice %arg11[%dma_wait3A_534, %dma_wait3A_535] : memref<1376567x16xf32, #tpu.memory_space<hbm>> -> memref<1376567x16xf32, #tpu.memory_space<hbm>>
    tpu.wait_indirect_dma semaphore(%arg29 : memref<!tpu.dma_semaphore, #tpu.memory_space<semaphore_mem>>) src(%dma_wait3A_536 : memref<1376567x16xf32, #tpu.memory_space<hbm>>) dst(%dma_wait3A_530 : memref<128x16xf32, #tpu.memory_space<vmem>>)
    %mul3A_537 = arith.constant 1600 : i32
    %mul3A_538 = arith.muli %add3A, %mul3A_537 : i32
    "tpu.region"() ({
      %run_scoped3A = tpu.sem_alloc : memref<!tpu.dma_semaphore, #tpu.memory_space<semaphore_mem>>
      %dma_start3A_810 = arith.constant 0 : i32
      %dma_start3A_811 = arith.constant 0 : i32
      %dma_start3A_812 = tpu.memref_slice %arg20[%dma_start3A_810, %dma_start3A_811] : memref<1664x16xf32, #tpu.memory_space<vmem>> -> memref<1600x16xf32, #tpu.memory_space<vmem>>
      %dma_start3A_813 = arith.constant 0 : i32
      %dma_start3A_814 = tpu.memref_slice %arg15[%mul3A_538, %dma_start3A_813] : memref<51200x28xf32, #tpu.memory_space<hbm>> -> memref<1600x16xf32, #tpu.memory_space<hbm>>
      %dma_start3A_815 = arith.constant 0 : i32
      %dma_start3A_816 = tpu.memref_slice %arg15[%mul3A_538, %dma_start3A_815] : memref<51200x28xf32, #tpu.memory_space<hbm>> -> memref<1600x16xf32, #tpu.memory_space<hbm>>
      %dma_start3A_817 = arith.constant 0 : i32
      %dma_start3A_818 = arith.constant 0 : i32
      %dma_start3A_819 = tpu.memref_slice %arg20[%dma_start3A_817, %dma_start3A_818] : memref<1664x16xf32, #tpu.memory_space<vmem>> -> memref<1600x16xf32, #tpu.memory_space<vmem>>
      tpu.enqueue_dma source(%dma_start3A_819 : memref<1600x16xf32, #tpu.memory_space<vmem>>) target(%dma_start3A_816 : memref<1600x16xf32, #tpu.memory_space<hbm>>) target_semaphore(%run_scoped3A : memref<!tpu.dma_semaphore, #tpu.memory_space<semaphore_mem>>)
      %dma_wait3A_820 = arith.constant 0 : i32
      %dma_wait3A_821 = arith.constant 0 : i32
      %dma_wait3A_822 = tpu.memref_slice %arg20[%dma_wait3A_820, %dma_wait3A_821] : memref<1664x16xf32, #tpu.memory_space<vmem>> -> memref<1600x16xf32, #tpu.memory_space<vmem>>
      %dma_wait3A_823 = arith.constant 0 : i32
      %dma_wait3A_824 = tpu.memref_slice %arg15[%mul3A_538, %dma_wait3A_823] : memref<51200x28xf32, #tpu.memory_space<hbm>> -> memref<1600x16xf32, #tpu.memory_space<hbm>>
      %dma_wait3A_825 = arith.constant 0 : i32
      %dma_wait3A_826 = tpu.memref_slice %arg15[%mul3A_538, %dma_wait3A_825] : memref<51200x28xf32, #tpu.memory_space<hbm>> -> memref<1600x16xf32, #tpu.memory_space<hbm>>
      %dma_wait3A_827 = arith.constant 0 : i32
      %dma_wait3A_828 = arith.constant 0 : i32
      %dma_wait3A_829 = tpu.memref_slice %arg20[%dma_wait3A_827, %dma_wait3A_828] : memref<1664x16xf32, #tpu.memory_space<vmem>> -> memref<1600x16xf32, #tpu.memory_space<vmem>>
      tpu.wait_dma2 semaphore(%run_scoped3A : memref<!tpu.dma_semaphore, #tpu.memory_space<semaphore_mem>>) src(%dma_wait3A_829 : memref<1600x16xf32, #tpu.memory_space<vmem>>) dst(%dma_wait3A_826 : memref<1600x16xf32, #tpu.memory_space<hbm>>)
      tpu.yield
    }) : () -> ()
    %dma_wait3A_539 = arith.constant 0 : i32
    %dma_wait3A_540 = arith.constant 0 : i32
    %dma_wait3A_541 = arith.constant 0 : i32
    %dma_wait3A_542 = tpu.memref_slice %arg21[%dma_wait3A_540, %dma_wait3A_541] : memref<1664x8xf32, #tpu.memory_space<vmem>> -> memref<128x8xf32, #tpu.memory_space<vmem>>
    %dma_wait3A_543 = arith.constant 0 : i32
    %dma_wait3A_544 = tpu.memref_slice %arg18[%dma_wait3A_539, %dma_wait3A_543] : memref<13x128xi32, #tpu.memory_space<vmem>> -> memref<1x128xi32, #tpu.memory_space<vmem>>
    %dma_wait3A_545 = tpu.memref_squeeze %dma_wait3A_544 : memref<1x128xi32, #tpu.memory_space<vmem>> -> memref<128xi32, #tpu.memory_space<vmem>>
    %dma_wait3A_546 = arith.constant 0 : i32
    %dma_wait3A_547 = arith.constant 0 : i32
    %dma_wait3A_548 = tpu.memref_slice %arg12[%dma_wait3A_546, %dma_wait3A_547] : memref<3024x8xf32, #tpu.memory_space<hbm>> -> memref<3024x8xf32, #tpu.memory_space<hbm>>
    tpu.wait_indirect_dma semaphore(%arg29 : memref<!tpu.dma_semaphore, #tpu.memory_space<semaphore_mem>>) src(%dma_wait3A_548 : memref<3024x8xf32, #tpu.memory_space<hbm>>) dst(%dma_wait3A_542 : memref<128x8xf32, #tpu.memory_space<vmem>>)
    %dma_wait3A_549 = arith.constant 1 : i32
    %dma_wait3A_550 = arith.constant 128 : i32
    %dma_wait3A_551 = arith.constant 0 : i32
    %dma_wait3A_552 = tpu.memref_slice %arg21[%dma_wait3A_550, %dma_wait3A_551] : memref<1664x8xf32, #tpu.memory_space<vmem>> -> memref<128x8xf32, #tpu.memory_space<vmem>>
    %dma_wait3A_553 = arith.constant 0 : i32
    %dma_wait3A_554 = tpu.memref_slice %arg18[%dma_wait3A_549, %dma_wait3A_553] : memref<13x128xi32, #tpu.memory_space<vmem>> -> memref<1x128xi32, #tpu.memory_space<vmem>>
    %dma_wait3A_555 = tpu.memref_squeeze %dma_wait3A_554 : memref<1x128xi32, #tpu.memory_space<vmem>> -> memref<128xi32, #tpu.memory_space<vmem>>
    %dma_wait3A_556 = arith.constant 0 : i32
    %dma_wait3A_557 = arith.constant 0 : i32
    %dma_wait3A_558 = tpu.memref_slice %arg12[%dma_wait3A_556, %dma_wait3A_557] : memref<3024x8xf32, #tpu.memory_space<hbm>> -> memref<3024x8xf32, #tpu.memory_space<hbm>>
    tpu.wait_indirect_dma semaphore(%arg29 : memref<!tpu.dma_semaphore, #tpu.memory_space<semaphore_mem>>) src(%dma_wait3A_558 : memref<3024x8xf32, #tpu.memory_space<hbm>>) dst(%dma_wait3A_552 : memref<128x8xf32, #tpu.memory_space<vmem>>)
    %dma_wait3A_559 = arith.constant 2 : i32
    %dma_wait3A_560 = arith.constant 256 : i32
    %dma_wait3A_561 = arith.constant 0 : i32
    %dma_wait3A_562 = tpu.memref_slice %arg21[%dma_wait3A_560, %dma_wait3A_561] : memref<1664x8xf32, #tpu.memory_space<vmem>> -> memref<128x8xf32, #tpu.memory_space<vmem>>
    %dma_wait3A_563 = arith.constant 0 : i32
    %dma_wait3A_564 = tpu.memref_slice %arg18[%dma_wait3A_559, %dma_wait3A_563] : memref<13x128xi32, #tpu.memory_space<vmem>> -> memref<1x128xi32, #tpu.memory_space<vmem>>
    %dma_wait3A_565 = tpu.memref_squeeze %dma_wait3A_564 : memref<1x128xi32, #tpu.memory_space<vmem>> -> memref<128xi32, #tpu.memory_space<vmem>>
    %dma_wait3A_566 = arith.constant 0 : i32
    %dma_wait3A_567 = arith.constant 0 : i32
    %dma_wait3A_568 = tpu.memref_slice %arg12[%dma_wait3A_566, %dma_wait3A_567] : memref<3024x8xf32, #tpu.memory_space<hbm>> -> memref<3024x8xf32, #tpu.memory_space<hbm>>
    tpu.wait_indirect_dma semaphore(%arg29 : memref<!tpu.dma_semaphore, #tpu.memory_space<semaphore_mem>>) src(%dma_wait3A_568 : memref<3024x8xf32, #tpu.memory_space<hbm>>) dst(%dma_wait3A_562 : memref<128x8xf32, #tpu.memory_space<vmem>>)
    %dma_wait3A_569 = arith.constant 3 : i32
    %dma_wait3A_570 = arith.constant 384 : i32
    %dma_wait3A_571 = arith.constant 0 : i32
    %dma_wait3A_572 = tpu.memref_slice %arg21[%dma_wait3A_570, %dma_wait3A_571] : memref<1664x8xf32, #tpu.memory_space<vmem>> -> memref<128x8xf32, #tpu.memory_space<vmem>>
    %dma_wait3A_573 = arith.constant 0 : i32
    %dma_wait3A_574 = tpu.memref_slice %arg18[%dma_wait3A_569, %dma_wait3A_573] : memref<13x128xi32, #tpu.memory_space<vmem>> -> memref<1x128xi32, #tpu.memory_space<vmem>>
    %dma_wait3A_575 = tpu.memref_squeeze %dma_wait3A_574 : memref<1x128xi32, #tpu.memory_space<vmem>> -> memref<128xi32, #tpu.memory_space<vmem>>
    %dma_wait3A_576 = arith.constant 0 : i32
    %dma_wait3A_577 = arith.constant 0 : i32
    %dma_wait3A_578 = tpu.memref_slice %arg12[%dma_wait3A_576, %dma_wait3A_577] : memref<3024x8xf32, #tpu.memory_space<hbm>> -> memref<3024x8xf32, #tpu.memory_space<hbm>>
    tpu.wait_indirect_dma semaphore(%arg29 : memref<!tpu.dma_semaphore, #tpu.memory_space<semaphore_mem>>) src(%dma_wait3A_578 : memref<3024x8xf32, #tpu.memory_space<hbm>>) dst(%dma_wait3A_572 : memref<128x8xf32, #tpu.memory_space<vmem>>)
    %dma_wait3A_579 = arith.constant 4 : i32
    %dma_wait3A_580 = arith.constant 512 : i32
    %dma_wait3A_581 = arith.constant 0 : i32
    %dma_wait3A_582 = tpu.memref_slice %arg21[%dma_wait3A_580, %dma_wait3A_581] : memref<1664x8xf32, #tpu.memory_space<vmem>> -> memref<128x8xf32, #tpu.memory_space<vmem>>
    %dma_wait3A_583 = arith.constant 0 : i32
    %dma_wait3A_584 = tpu.memref_slice %arg18[%dma_wait3A_579, %dma_wait3A_583] : memref<13x128xi32, #tpu.memory_space<vmem>> -> memref<1x128xi32, #tpu.memory_space<vmem>>
    %dma_wait3A_585 = tpu.memref_squeeze %dma_wait3A_584 : memref<1x128xi32, #tpu.memory_space<vmem>> -> memref<128xi32, #tpu.memory_space<vmem>>
    %dma_wait3A_586 = arith.constant 0 : i32
    %dma_wait3A_587 = arith.constant 0 : i32
    %dma_wait3A_588 = tpu.memref_slice %arg12[%dma_wait3A_586, %dma_wait3A_587] : memref<3024x8xf32, #tpu.memory_space<hbm>> -> memref<3024x8xf32, #tpu.memory_space<hbm>>
    tpu.wait_indirect_dma semaphore(%arg29 : memref<!tpu.dma_semaphore, #tpu.memory_space<semaphore_mem>>) src(%dma_wait3A_588 : memref<3024x8xf32, #tpu.memory_space<hbm>>) dst(%dma_wait3A_582 : memref<128x8xf32, #tpu.memory_space<vmem>>)
    %dma_wait3A_589 = arith.constant 5 : i32
    %dma_wait3A_590 = arith.constant 640 : i32
    %dma_wait3A_591 = arith.constant 0 : i32
    %dma_wait3A_592 = tpu.memref_slice %arg21[%dma_wait3A_590, %dma_wait3A_591] : memref<1664x8xf32, #tpu.memory_space<vmem>> -> memref<128x8xf32, #tpu.memory_space<vmem>>
    %dma_wait3A_593 = arith.constant 0 : i32
    %dma_wait3A_594 = tpu.memref_slice %arg18[%dma_wait3A_589, %dma_wait3A_593] : memref<13x128xi32, #tpu.memory_space<vmem>> -> memref<1x128xi32, #tpu.memory_space<vmem>>
    %dma_wait3A_595 = tpu.memref_squeeze %dma_wait3A_594 : memref<1x128xi32, #tpu.memory_space<vmem>> -> memref<128xi32, #tpu.memory_space<vmem>>
    %dma_wait3A_596 = arith.constant 0 : i32
    %dma_wait3A_597 = arith.constant 0 : i32
    %dma_wait3A_598 = tpu.memref_slice %arg12[%dma_wait3A_596, %dma_wait3A_597] : memref<3024x8xf32, #tpu.memory_space<hbm>> -> memref<3024x8xf32, #tpu.memory_space<hbm>>
    tpu.wait_indirect_dma semaphore(%arg29 : memref<!tpu.dma_semaphore, #tpu.memory_space<semaphore_mem>>) src(%dma_wait3A_598 : memref<3024x8xf32, #tpu.memory_space<hbm>>) dst(%dma_wait3A_592 : memref<128x8xf32, #tpu.memory_space<vmem>>)
    %dma_wait3A_599 = arith.constant 6 : i32
    %dma_wait3A_600 = arith.constant 768 : i32
    %dma_wait3A_601 = arith.constant 0 : i32
    %dma_wait3A_602 = tpu.memref_slice %arg21[%dma_wait3A_600, %dma_wait3A_601] : memref<1664x8xf32, #tpu.memory_space<vmem>> -> memref<128x8xf32, #tpu.memory_space<vmem>>
    %dma_wait3A_603 = arith.constant 0 : i32
    %dma_wait3A_604 = tpu.memref_slice %arg18[%dma_wait3A_599, %dma_wait3A_603] : memref<13x128xi32, #tpu.memory_space<vmem>> -> memref<1x128xi32, #tpu.memory_space<vmem>>
    %dma_wait3A_605 = tpu.memref_squeeze %dma_wait3A_604 : memref<1x128xi32, #tpu.memory_space<vmem>> -> memref<128xi32, #tpu.memory_space<vmem>>
    %dma_wait3A_606 = arith.constant 0 : i32
    %dma_wait3A_607 = arith.constant 0 : i32
    %dma_wait3A_608 = tpu.memref_slice %arg12[%dma_wait3A_606, %dma_wait3A_607] : memref<3024x8xf32, #tpu.memory_space<hbm>> -> memref<3024x8xf32, #tpu.memory_space<hbm>>
    tpu.wait_indirect_dma semaphore(%arg29 : memref<!tpu.dma_semaphore, #tpu.memory_space<semaphore_mem>>) src(%dma_wait3A_608 : memref<3024x8xf32, #tpu.memory_space<hbm>>) dst(%dma_wait3A_602 : memref<128x8xf32, #tpu.memory_space<vmem>>)
    %dma_wait3A_609 = arith.constant 7 : i32
    %dma_wait3A_610 = arith.constant 896 : i32
    %dma_wait3A_611 = arith.constant 0 : i32
    %dma_wait3A_612 = tpu.memref_slice %arg21[%dma_wait3A_610, %dma_wait3A_611] : memref<1664x8xf32, #tpu.memory_space<vmem>> -> memref<128x8xf32, #tpu.memory_space<vmem>>
    %dma_wait3A_613 = arith.constant 0 : i32
    %dma_wait3A_614 = tpu.memref_slice %arg18[%dma_wait3A_609, %dma_wait3A_613] : memref<13x128xi32, #tpu.memory_space<vmem>> -> memref<1x128xi32, #tpu.memory_space<vmem>>
    %dma_wait3A_615 = tpu.memref_squeeze %dma_wait3A_614 : memref<1x128xi32, #tpu.memory_space<vmem>> -> memref<128xi32, #tpu.memory_space<vmem>>
    %dma_wait3A_616 = arith.constant 0 : i32
    %dma_wait3A_617 = arith.constant 0 : i32
    %dma_wait3A_618 = tpu.memref_slice %arg12[%dma_wait3A_616, %dma_wait3A_617] : memref<3024x8xf32, #tpu.memory_space<hbm>> -> memref<3024x8xf32, #tpu.memory_space<hbm>>
    tpu.wait_indirect_dma semaphore(%arg29 : memref<!tpu.dma_semaphore, #tpu.memory_space<semaphore_mem>>) src(%dma_wait3A_618 : memref<3024x8xf32, #tpu.memory_space<hbm>>) dst(%dma_wait3A_612 : memref<128x8xf32, #tpu.memory_space<vmem>>)
    %dma_wait3A_619 = arith.constant 8 : i32
    %dma_wait3A_620 = arith.constant 1024 : i32
    %dma_wait3A_621 = arith.constant 0 : i32
    %dma_wait3A_622 = tpu.memref_slice %arg21[%dma_wait3A_620, %dma_wait3A_621] : memref<1664x8xf32, #tpu.memory_space<vmem>> -> memref<128x8xf32, #tpu.memory_space<vmem>>
    %dma_wait3A_623 = arith.constant 0 : i32
    %dma_wait3A_624 = tpu.memref_slice %arg18[%dma_wait3A_619, %dma_wait3A_623] : memref<13x128xi32, #tpu.memory_space<vmem>> -> memref<1x128xi32, #tpu.memory_space<vmem>>
    %dma_wait3A_625 = tpu.memref_squeeze %dma_wait3A_624 : memref<1x128xi32, #tpu.memory_space<vmem>> -> memref<128xi32, #tpu.memory_space<vmem>>
    %dma_wait3A_626 = arith.constant 0 : i32
    %dma_wait3A_627 = arith.constant 0 : i32
    %dma_wait3A_628 = tpu.memref_slice %arg12[%dma_wait3A_626, %dma_wait3A_627] : memref<3024x8xf32, #tpu.memory_space<hbm>> -> memref<3024x8xf32, #tpu.memory_space<hbm>>
    tpu.wait_indirect_dma semaphore(%arg29 : memref<!tpu.dma_semaphore, #tpu.memory_space<semaphore_mem>>) src(%dma_wait3A_628 : memref<3024x8xf32, #tpu.memory_space<hbm>>) dst(%dma_wait3A_622 : memref<128x8xf32, #tpu.memory_space<vmem>>)
    %dma_wait3A_629 = arith.constant 9 : i32
    %dma_wait3A_630 = arith.constant 1152 : i32
    %dma_wait3A_631 = arith.constant 0 : i32
    %dma_wait3A_632 = tpu.memref_slice %arg21[%dma_wait3A_630, %dma_wait3A_631] : memref<1664x8xf32, #tpu.memory_space<vmem>> -> memref<128x8xf32, #tpu.memory_space<vmem>>
    %dma_wait3A_633 = arith.constant 0 : i32
    %dma_wait3A_634 = tpu.memref_slice %arg18[%dma_wait3A_629, %dma_wait3A_633] : memref<13x128xi32, #tpu.memory_space<vmem>> -> memref<1x128xi32, #tpu.memory_space<vmem>>
    %dma_wait3A_635 = tpu.memref_squeeze %dma_wait3A_634 : memref<1x128xi32, #tpu.memory_space<vmem>> -> memref<128xi32, #tpu.memory_space<vmem>>
    %dma_wait3A_636 = arith.constant 0 : i32
    %dma_wait3A_637 = arith.constant 0 : i32
    %dma_wait3A_638 = tpu.memref_slice %arg12[%dma_wait3A_636, %dma_wait3A_637] : memref<3024x8xf32, #tpu.memory_space<hbm>> -> memref<3024x8xf32, #tpu.memory_space<hbm>>
    tpu.wait_indirect_dma semaphore(%arg29 : memref<!tpu.dma_semaphore, #tpu.memory_space<semaphore_mem>>) src(%dma_wait3A_638 : memref<3024x8xf32, #tpu.memory_space<hbm>>) dst(%dma_wait3A_632 : memref<128x8xf32, #tpu.memory_space<vmem>>)
    %dma_wait3A_639 = arith.constant 10 : i32
    %dma_wait3A_640 = arith.constant 1280 : i32
    %dma_wait3A_641 = arith.constant 0 : i32
    %dma_wait3A_642 = tpu.memref_slice %arg21[%dma_wait3A_640, %dma_wait3A_641] : memref<1664x8xf32, #tpu.memory_space<vmem>> -> memref<128x8xf32, #tpu.memory_space<vmem>>
    %dma_wait3A_643 = arith.constant 0 : i32
    %dma_wait3A_644 = tpu.memref_slice %arg18[%dma_wait3A_639, %dma_wait3A_643] : memref<13x128xi32, #tpu.memory_space<vmem>> -> memref<1x128xi32, #tpu.memory_space<vmem>>
    %dma_wait3A_645 = tpu.memref_squeeze %dma_wait3A_644 : memref<1x128xi32, #tpu.memory_space<vmem>> -> memref<128xi32, #tpu.memory_space<vmem>>
    %dma_wait3A_646 = arith.constant 0 : i32
    %dma_wait3A_647 = arith.constant 0 : i32
    %dma_wait3A_648 = tpu.memref_slice %arg12[%dma_wait3A_646, %dma_wait3A_647] : memref<3024x8xf32, #tpu.memory_space<hbm>> -> memref<3024x8xf32, #tpu.memory_space<hbm>>
    tpu.wait_indirect_dma semaphore(%arg29 : memref<!tpu.dma_semaphore, #tpu.memory_space<semaphore_mem>>) src(%dma_wait3A_648 : memref<3024x8xf32, #tpu.memory_space<hbm>>) dst(%dma_wait3A_642 : memref<128x8xf32, #tpu.memory_space<vmem>>)
    %dma_wait3A_649 = arith.constant 11 : i32
    %dma_wait3A_650 = arith.constant 1408 : i32
    %dma_wait3A_651 = arith.constant 0 : i32
    %dma_wait3A_652 = tpu.memref_slice %arg21[%dma_wait3A_650, %dma_wait3A_651] : memref<1664x8xf32, #tpu.memory_space<vmem>> -> memref<128x8xf32, #tpu.memory_space<vmem>>
    %dma_wait3A_653 = arith.constant 0 : i32
    %dma_wait3A_654 = tpu.memref_slice %arg18[%dma_wait3A_649, %dma_wait3A_653] : memref<13x128xi32, #tpu.memory_space<vmem>> -> memref<1x128xi32, #tpu.memory_space<vmem>>
    %dma_wait3A_655 = tpu.memref_squeeze %dma_wait3A_654 : memref<1x128xi32, #tpu.memory_space<vmem>> -> memref<128xi32, #tpu.memory_space<vmem>>
    %dma_wait3A_656 = arith.constant 0 : i32
    %dma_wait3A_657 = arith.constant 0 : i32
    %dma_wait3A_658 = tpu.memref_slice %arg12[%dma_wait3A_656, %dma_wait3A_657] : memref<3024x8xf32, #tpu.memory_space<hbm>> -> memref<3024x8xf32, #tpu.memory_space<hbm>>
    tpu.wait_indirect_dma semaphore(%arg29 : memref<!tpu.dma_semaphore, #tpu.memory_space<semaphore_mem>>) src(%dma_wait3A_658 : memref<3024x8xf32, #tpu.memory_space<hbm>>) dst(%dma_wait3A_652 : memref<128x8xf32, #tpu.memory_space<vmem>>)
    %dma_wait3A_659 = arith.constant 12 : i32
    %dma_wait3A_660 = arith.constant 1536 : i32
    %dma_wait3A_661 = arith.constant 0 : i32
    %dma_wait3A_662 = tpu.memref_slice %arg21[%dma_wait3A_660, %dma_wait3A_661] : memref<1664x8xf32, #tpu.memory_space<vmem>> -> memref<128x8xf32, #tpu.memory_space<vmem>>
    %dma_wait3A_663 = arith.constant 0 : i32
    %dma_wait3A_664 = tpu.memref_slice %arg18[%dma_wait3A_659, %dma_wait3A_663] : memref<13x128xi32, #tpu.memory_space<vmem>> -> memref<1x128xi32, #tpu.memory_space<vmem>>
    %dma_wait3A_665 = tpu.memref_squeeze %dma_wait3A_664 : memref<1x128xi32, #tpu.memory_space<vmem>> -> memref<128xi32, #tpu.memory_space<vmem>>
    %dma_wait3A_666 = arith.constant 0 : i32
    %dma_wait3A_667 = arith.constant 0 : i32
    %dma_wait3A_668 = tpu.memref_slice %arg12[%dma_wait3A_666, %dma_wait3A_667] : memref<3024x8xf32, #tpu.memory_space<hbm>> -> memref<3024x8xf32, #tpu.memory_space<hbm>>
    tpu.wait_indirect_dma semaphore(%arg29 : memref<!tpu.dma_semaphore, #tpu.memory_space<semaphore_mem>>) src(%dma_wait3A_668 : memref<3024x8xf32, #tpu.memory_space<hbm>>) dst(%dma_wait3A_662 : memref<128x8xf32, #tpu.memory_space<vmem>>)
    %mul3A_669 = arith.constant 1600 : i32
    %mul3A_670 = arith.muli %add3A, %mul3A_669 : i32
    "tpu.region"() ({
      %run_scoped3A = tpu.sem_alloc : memref<!tpu.dma_semaphore, #tpu.memory_space<semaphore_mem>>
      %dma_start3A_810 = arith.constant 0 : i32
      %dma_start3A_811 = arith.constant 0 : i32
      %dma_start3A_812 = tpu.memref_slice %arg21[%dma_start3A_810, %dma_start3A_811] : memref<1664x8xf32, #tpu.memory_space<vmem>> -> memref<1600x8xf32, #tpu.memory_space<vmem>>
      %dma_start3A_813 = arith.constant 16 : i32
      %dma_start3A_814 = tpu.memref_slice %arg15[%mul3A_670, %dma_start3A_813] : memref<51200x28xf32, #tpu.memory_space<hbm>> -> memref<1600x8xf32, #tpu.memory_space<hbm>>
      %dma_start3A_815 = arith.constant 16 : i32
      %dma_start3A_816 = tpu.memref_slice %arg15[%mul3A_670, %dma_start3A_815] : memref<51200x28xf32, #tpu.memory_space<hbm>> -> memref<1600x8xf32, #tpu.memory_space<hbm>>
      %dma_start3A_817 = arith.constant 0 : i32
      %dma_start3A_818 = arith.constant 0 : i32
      %dma_start3A_819 = tpu.memref_slice %arg21[%dma_start3A_817, %dma_start3A_818] : memref<1664x8xf32, #tpu.memory_space<vmem>> -> memref<1600x8xf32, #tpu.memory_space<vmem>>
      tpu.enqueue_dma source(%dma_start3A_819 : memref<1600x8xf32, #tpu.memory_space<vmem>>) target(%dma_start3A_816 : memref<1600x8xf32, #tpu.memory_space<hbm>>) target_semaphore(%run_scoped3A : memref<!tpu.dma_semaphore, #tpu.memory_space<semaphore_mem>>)
      %dma_wait3A_820 = arith.constant 0 : i32
      %dma_wait3A_821 = arith.constant 0 : i32
      %dma_wait3A_822 = tpu.memref_slice %arg21[%dma_wait3A_820, %dma_wait3A_821] : memref<1664x8xf32, #tpu.memory_space<vmem>> -> memref<1600x8xf32, #tpu.memory_space<vmem>>
      %dma_wait3A_823 = arith.constant 16 : i32
      %dma_wait3A_824 = tpu.memref_slice %arg15[%mul3A_670, %dma_wait3A_823] : memref<51200x28xf32, #tpu.memory_space<hbm>> -> memref<1600x8xf32, #tpu.memory_space<hbm>>
      %dma_wait3A_825 = arith.constant 16 : i32
      %dma_wait3A_826 = tpu.memref_slice %arg15[%mul3A_670, %dma_wait3A_825] : memref<51200x28xf32, #tpu.memory_space<hbm>> -> memref<1600x8xf32, #tpu.memory_space<hbm>>
      %dma_wait3A_827 = arith.constant 0 : i32
      %dma_wait3A_828 = arith.constant 0 : i32
      %dma_wait3A_829 = tpu.memref_slice %arg21[%dma_wait3A_827, %dma_wait3A_828] : memref<1664x8xf32, #tpu.memory_space<vmem>> -> memref<1600x8xf32, #tpu.memory_space<vmem>>
      tpu.wait_dma2 semaphore(%run_scoped3A : memref<!tpu.dma_semaphore, #tpu.memory_space<semaphore_mem>>) src(%dma_wait3A_829 : memref<1600x8xf32, #tpu.memory_space<vmem>>) dst(%dma_wait3A_826 : memref<1600x8xf32, #tpu.memory_space<hbm>>)
      tpu.yield
    }) : () -> ()
    %dma_wait3A_671 = arith.constant 0 : i32
    %dma_wait3A_672 = arith.constant 0 : i32
    %dma_wait3A_673 = arith.constant 0 : i32
    %dma_wait3A_674 = tpu.memref_slice %arg22[%dma_wait3A_672, %dma_wait3A_673] : memref<1664x16xf32, #tpu.memory_space<vmem>> -> memref<128x16xf32, #tpu.memory_space<vmem>>
    %dma_wait3A_675 = arith.constant 0 : i32
    %dma_wait3A_676 = tpu.memref_slice %arg19[%dma_wait3A_671, %dma_wait3A_675] : memref<13x128xi32, #tpu.memory_space<vmem>> -> memref<1x128xi32, #tpu.memory_space<vmem>>
    %dma_wait3A_677 = tpu.memref_squeeze %dma_wait3A_676 : memref<1x128xi32, #tpu.memory_space<vmem>> -> memref<128xi32, #tpu.memory_space<vmem>>
    %dma_wait3A_678 = arith.constant 0 : i32
    %dma_wait3A_679 = arith.constant 0 : i32
    %dma_wait3A_680 = tpu.memref_slice %arg13[%dma_wait3A_678, %dma_wait3A_679] : memref<101009x16xf32, #tpu.memory_space<hbm>> -> memref<101009x16xf32, #tpu.memory_space<hbm>>
    tpu.wait_indirect_dma semaphore(%arg29 : memref<!tpu.dma_semaphore, #tpu.memory_space<semaphore_mem>>) src(%dma_wait3A_680 : memref<101009x16xf32, #tpu.memory_space<hbm>>) dst(%dma_wait3A_674 : memref<128x16xf32, #tpu.memory_space<vmem>>)
    %dma_wait3A_681 = arith.constant 1 : i32
    %dma_wait3A_682 = arith.constant 128 : i32
    %dma_wait3A_683 = arith.constant 0 : i32
    %dma_wait3A_684 = tpu.memref_slice %arg22[%dma_wait3A_682, %dma_wait3A_683] : memref<1664x16xf32, #tpu.memory_space<vmem>> -> memref<128x16xf32, #tpu.memory_space<vmem>>
    %dma_wait3A_685 = arith.constant 0 : i32
    %dma_wait3A_686 = tpu.memref_slice %arg19[%dma_wait3A_681, %dma_wait3A_685] : memref<13x128xi32, #tpu.memory_space<vmem>> -> memref<1x128xi32, #tpu.memory_space<vmem>>
    %dma_wait3A_687 = tpu.memref_squeeze %dma_wait3A_686 : memref<1x128xi32, #tpu.memory_space<vmem>> -> memref<128xi32, #tpu.memory_space<vmem>>
    %dma_wait3A_688 = arith.constant 0 : i32
    %dma_wait3A_689 = arith.constant 0 : i32
    %dma_wait3A_690 = tpu.memref_slice %arg13[%dma_wait3A_688, %dma_wait3A_689] : memref<101009x16xf32, #tpu.memory_space<hbm>> -> memref<101009x16xf32, #tpu.memory_space<hbm>>
    tpu.wait_indirect_dma semaphore(%arg29 : memref<!tpu.dma_semaphore, #tpu.memory_space<semaphore_mem>>) src(%dma_wait3A_690 : memref<101009x16xf32, #tpu.memory_space<hbm>>) dst(%dma_wait3A_684 : memref<128x16xf32, #tpu.memory_space<vmem>>)
    %dma_wait3A_691 = arith.constant 2 : i32
    %dma_wait3A_692 = arith.constant 256 : i32
    %dma_wait3A_693 = arith.constant 0 : i32
    %dma_wait3A_694 = tpu.memref_slice %arg22[%dma_wait3A_692, %dma_wait3A_693] : memref<1664x16xf32, #tpu.memory_space<vmem>> -> memref<128x16xf32, #tpu.memory_space<vmem>>
    %dma_wait3A_695 = arith.constant 0 : i32
    %dma_wait3A_696 = tpu.memref_slice %arg19[%dma_wait3A_691, %dma_wait3A_695] : memref<13x128xi32, #tpu.memory_space<vmem>> -> memref<1x128xi32, #tpu.memory_space<vmem>>
    %dma_wait3A_697 = tpu.memref_squeeze %dma_wait3A_696 : memref<1x128xi32, #tpu.memory_space<vmem>> -> memref<128xi32, #tpu.memory_space<vmem>>
    %dma_wait3A_698 = arith.constant 0 : i32
    %dma_wait3A_699 = arith.constant 0 : i32
    %dma_wait3A_700 = tpu.memref_slice %arg13[%dma_wait3A_698, %dma_wait3A_699] : memref<101009x16xf32, #tpu.memory_space<hbm>> -> memref<101009x16xf32, #tpu.memory_space<hbm>>
    tpu.wait_indirect_dma semaphore(%arg29 : memref<!tpu.dma_semaphore, #tpu.memory_space<semaphore_mem>>) src(%dma_wait3A_700 : memref<101009x16xf32, #tpu.memory_space<hbm>>) dst(%dma_wait3A_694 : memref<128x16xf32, #tpu.memory_space<vmem>>)
    %dma_wait3A_701 = arith.constant 3 : i32
    %dma_wait3A_702 = arith.constant 384 : i32
    %dma_wait3A_703 = arith.constant 0 : i32
    %dma_wait3A_704 = tpu.memref_slice %arg22[%dma_wait3A_702, %dma_wait3A_703] : memref<1664x16xf32, #tpu.memory_space<vmem>> -> memref<128x16xf32, #tpu.memory_space<vmem>>
    %dma_wait3A_705 = arith.constant 0 : i32
    %dma_wait3A_706 = tpu.memref_slice %arg19[%dma_wait3A_701, %dma_wait3A_705] : memref<13x128xi32, #tpu.memory_space<vmem>> -> memref<1x128xi32, #tpu.memory_space<vmem>>
    %dma_wait3A_707 = tpu.memref_squeeze %dma_wait3A_706 : memref<1x128xi32, #tpu.memory_space<vmem>> -> memref<128xi32, #tpu.memory_space<vmem>>
    %dma_wait3A_708 = arith.constant 0 : i32
    %dma_wait3A_709 = arith.constant 0 : i32
    %dma_wait3A_710 = tpu.memref_slice %arg13[%dma_wait3A_708, %dma_wait3A_709] : memref<101009x16xf32, #tpu.memory_space<hbm>> -> memref<101009x16xf32, #tpu.memory_space<hbm>>
    tpu.wait_indirect_dma semaphore(%arg29 : memref<!tpu.dma_semaphore, #tpu.memory_space<semaphore_mem>>) src(%dma_wait3A_710 : memref<101009x16xf32, #tpu.memory_space<hbm>>) dst(%dma_wait3A_704 : memref<128x16xf32, #tpu.memory_space<vmem>>)
    %dma_wait3A_711 = arith.constant 4 : i32
    %dma_wait3A_712 = arith.constant 512 : i32
    %dma_wait3A_713 = arith.constant 0 : i32
    %dma_wait3A_714 = tpu.memref_slice %arg22[%dma_wait3A_712, %dma_wait3A_713] : memref<1664x16xf32, #tpu.memory_space<vmem>> -> memref<128x16xf32, #tpu.memory_space<vmem>>
    %dma_wait3A_715 = arith.constant 0 : i32
    %dma_wait3A_716 = tpu.memref_slice %arg19[%dma_wait3A_711, %dma_wait3A_715] : memref<13x128xi32, #tpu.memory_space<vmem>> -> memref<1x128xi32, #tpu.memory_space<vmem>>
    %dma_wait3A_717 = tpu.memref_squeeze %dma_wait3A_716 : memref<1x128xi32, #tpu.memory_space<vmem>> -> memref<128xi32, #tpu.memory_space<vmem>>
    %dma_wait3A_718 = arith.constant 0 : i32
    %dma_wait3A_719 = arith.constant 0 : i32
    %dma_wait3A_720 = tpu.memref_slice %arg13[%dma_wait3A_718, %dma_wait3A_719] : memref<101009x16xf32, #tpu.memory_space<hbm>> -> memref<101009x16xf32, #tpu.memory_space<hbm>>
    tpu.wait_indirect_dma semaphore(%arg29 : memref<!tpu.dma_semaphore, #tpu.memory_space<semaphore_mem>>) src(%dma_wait3A_720 : memref<101009x16xf32, #tpu.memory_space<hbm>>) dst(%dma_wait3A_714 : memref<128x16xf32, #tpu.memory_space<vmem>>)
    %dma_wait3A_721 = arith.constant 5 : i32
    %dma_wait3A_722 = arith.constant 640 : i32
    %dma_wait3A_723 = arith.constant 0 : i32
    %dma_wait3A_724 = tpu.memref_slice %arg22[%dma_wait3A_722, %dma_wait3A_723] : memref<1664x16xf32, #tpu.memory_space<vmem>> -> memref<128x16xf32, #tpu.memory_space<vmem>>
    %dma_wait3A_725 = arith.constant 0 : i32
    %dma_wait3A_726 = tpu.memref_slice %arg19[%dma_wait3A_721, %dma_wait3A_725] : memref<13x128xi32, #tpu.memory_space<vmem>> -> memref<1x128xi32, #tpu.memory_space<vmem>>
    %dma_wait3A_727 = tpu.memref_squeeze %dma_wait3A_726 : memref<1x128xi32, #tpu.memory_space<vmem>> -> memref<128xi32, #tpu.memory_space<vmem>>
    %dma_wait3A_728 = arith.constant 0 : i32
    %dma_wait3A_729 = arith.constant 0 : i32
    %dma_wait3A_730 = tpu.memref_slice %arg13[%dma_wait3A_728, %dma_wait3A_729] : memref<101009x16xf32, #tpu.memory_space<hbm>> -> memref<101009x16xf32, #tpu.memory_space<hbm>>
    tpu.wait_indirect_dma semaphore(%arg29 : memref<!tpu.dma_semaphore, #tpu.memory_space<semaphore_mem>>) src(%dma_wait3A_730 : memref<101009x16xf32, #tpu.memory_space<hbm>>) dst(%dma_wait3A_724 : memref<128x16xf32, #tpu.memory_space<vmem>>)
    %dma_wait3A_731 = arith.constant 6 : i32
    %dma_wait3A_732 = arith.constant 768 : i32
    %dma_wait3A_733 = arith.constant 0 : i32
    %dma_wait3A_734 = tpu.memref_slice %arg22[%dma_wait3A_732, %dma_wait3A_733] : memref<1664x16xf32, #tpu.memory_space<vmem>> -> memref<128x16xf32, #tpu.memory_space<vmem>>
    %dma_wait3A_735 = arith.constant 0 : i32
    %dma_wait3A_736 = tpu.memref_slice %arg19[%dma_wait3A_731, %dma_wait3A_735] : memref<13x128xi32, #tpu.memory_space<vmem>> -> memref<1x128xi32, #tpu.memory_space<vmem>>
    %dma_wait3A_737 = tpu.memref_squeeze %dma_wait3A_736 : memref<1x128xi32, #tpu.memory_space<vmem>> -> memref<128xi32, #tpu.memory_space<vmem>>
    %dma_wait3A_738 = arith.constant 0 : i32
    %dma_wait3A_739 = arith.constant 0 : i32
    %dma_wait3A_740 = tpu.memref_slice %arg13[%dma_wait3A_738, %dma_wait3A_739] : memref<101009x16xf32, #tpu.memory_space<hbm>> -> memref<101009x16xf32, #tpu.memory_space<hbm>>
    tpu.wait_indirect_dma semaphore(%arg29 : memref<!tpu.dma_semaphore, #tpu.memory_space<semaphore_mem>>) src(%dma_wait3A_740 : memref<101009x16xf32, #tpu.memory_space<hbm>>) dst(%dma_wait3A_734 : memref<128x16xf32, #tpu.memory_space<vmem>>)
    %dma_wait3A_741 = arith.constant 7 : i32
    %dma_wait3A_742 = arith.constant 896 : i32
    %dma_wait3A_743 = arith.constant 0 : i32
    %dma_wait3A_744 = tpu.memref_slice %arg22[%dma_wait3A_742, %dma_wait3A_743] : memref<1664x16xf32, #tpu.memory_space<vmem>> -> memref<128x16xf32, #tpu.memory_space<vmem>>
    %dma_wait3A_745 = arith.constant 0 : i32
    %dma_wait3A_746 = tpu.memref_slice %arg19[%dma_wait3A_741, %dma_wait3A_745] : memref<13x128xi32, #tpu.memory_space<vmem>> -> memref<1x128xi32, #tpu.memory_space<vmem>>
    %dma_wait3A_747 = tpu.memref_squeeze %dma_wait3A_746 : memref<1x128xi32, #tpu.memory_space<vmem>> -> memref<128xi32, #tpu.memory_space<vmem>>
    %dma_wait3A_748 = arith.constant 0 : i32
    %dma_wait3A_749 = arith.constant 0 : i32
    %dma_wait3A_750 = tpu.memref_slice %arg13[%dma_wait3A_748, %dma_wait3A_749] : memref<101009x16xf32, #tpu.memory_space<hbm>> -> memref<101009x16xf32, #tpu.memory_space<hbm>>
    tpu.wait_indirect_dma semaphore(%arg29 : memref<!tpu.dma_semaphore, #tpu.memory_space<semaphore_mem>>) src(%dma_wait3A_750 : memref<101009x16xf32, #tpu.memory_space<hbm>>) dst(%dma_wait3A_744 : memref<128x16xf32, #tpu.memory_space<vmem>>)
    %dma_wait3A_751 = arith.constant 8 : i32
    %dma_wait3A_752 = arith.constant 1024 : i32
    %dma_wait3A_753 = arith.constant 0 : i32
    %dma_wait3A_754 = tpu.memref_slice %arg22[%dma_wait3A_752, %dma_wait3A_753] : memref<1664x16xf32, #tpu.memory_space<vmem>> -> memref<128x16xf32, #tpu.memory_space<vmem>>
    %dma_wait3A_755 = arith.constant 0 : i32
    %dma_wait3A_756 = tpu.memref_slice %arg19[%dma_wait3A_751, %dma_wait3A_755] : memref<13x128xi32, #tpu.memory_space<vmem>> -> memref<1x128xi32, #tpu.memory_space<vmem>>
    %dma_wait3A_757 = tpu.memref_squeeze %dma_wait3A_756 : memref<1x128xi32, #tpu.memory_space<vmem>> -> memref<128xi32, #tpu.memory_space<vmem>>
    %dma_wait3A_758 = arith.constant 0 : i32
    %dma_wait3A_759 = arith.constant 0 : i32
    %dma_wait3A_760 = tpu.memref_slice %arg13[%dma_wait3A_758, %dma_wait3A_759] : memref<101009x16xf32, #tpu.memory_space<hbm>> -> memref<101009x16xf32, #tpu.memory_space<hbm>>
    tpu.wait_indirect_dma semaphore(%arg29 : memref<!tpu.dma_semaphore, #tpu.memory_space<semaphore_mem>>) src(%dma_wait3A_760 : memref<101009x16xf32, #tpu.memory_space<hbm>>) dst(%dma_wait3A_754 : memref<128x16xf32, #tpu.memory_space<vmem>>)
    %dma_wait3A_761 = arith.constant 9 : i32
    %dma_wait3A_762 = arith.constant 1152 : i32
    %dma_wait3A_763 = arith.constant 0 : i32
    %dma_wait3A_764 = tpu.memref_slice %arg22[%dma_wait3A_762, %dma_wait3A_763] : memref<1664x16xf32, #tpu.memory_space<vmem>> -> memref<128x16xf32, #tpu.memory_space<vmem>>
    %dma_wait3A_765 = arith.constant 0 : i32
    %dma_wait3A_766 = tpu.memref_slice %arg19[%dma_wait3A_761, %dma_wait3A_765] : memref<13x128xi32, #tpu.memory_space<vmem>> -> memref<1x128xi32, #tpu.memory_space<vmem>>
    %dma_wait3A_767 = tpu.memref_squeeze %dma_wait3A_766 : memref<1x128xi32, #tpu.memory_space<vmem>> -> memref<128xi32, #tpu.memory_space<vmem>>
    %dma_wait3A_768 = arith.constant 0 : i32
    %dma_wait3A_769 = arith.constant 0 : i32
    %dma_wait3A_770 = tpu.memref_slice %arg13[%dma_wait3A_768, %dma_wait3A_769] : memref<101009x16xf32, #tpu.memory_space<hbm>> -> memref<101009x16xf32, #tpu.memory_space<hbm>>
    tpu.wait_indirect_dma semaphore(%arg29 : memref<!tpu.dma_semaphore, #tpu.memory_space<semaphore_mem>>) src(%dma_wait3A_770 : memref<101009x16xf32, #tpu.memory_space<hbm>>) dst(%dma_wait3A_764 : memref<128x16xf32, #tpu.memory_space<vmem>>)
    %dma_wait3A_771 = arith.constant 10 : i32
    %dma_wait3A_772 = arith.constant 1280 : i32
    %dma_wait3A_773 = arith.constant 0 : i32
    %dma_wait3A_774 = tpu.memref_slice %arg22[%dma_wait3A_772, %dma_wait3A_773] : memref<1664x16xf32, #tpu.memory_space<vmem>> -> memref<128x16xf32, #tpu.memory_space<vmem>>
    %dma_wait3A_775 = arith.constant 0 : i32
    %dma_wait3A_776 = tpu.memref_slice %arg19[%dma_wait3A_771, %dma_wait3A_775] : memref<13x128xi32, #tpu.memory_space<vmem>> -> memref<1x128xi32, #tpu.memory_space<vmem>>
    %dma_wait3A_777 = tpu.memref_squeeze %dma_wait3A_776 : memref<1x128xi32, #tpu.memory_space<vmem>> -> memref<128xi32, #tpu.memory_space<vmem>>
    %dma_wait3A_778 = arith.constant 0 : i32
    %dma_wait3A_779 = arith.constant 0 : i32
    %dma_wait3A_780 = tpu.memref_slice %arg13[%dma_wait3A_778, %dma_wait3A_779] : memref<101009x16xf32, #tpu.memory_space<hbm>> -> memref<101009x16xf32, #tpu.memory_space<hbm>>
    tpu.wait_indirect_dma semaphore(%arg29 : memref<!tpu.dma_semaphore, #tpu.memory_space<semaphore_mem>>) src(%dma_wait3A_780 : memref<101009x16xf32, #tpu.memory_space<hbm>>) dst(%dma_wait3A_774 : memref<128x16xf32, #tpu.memory_space<vmem>>)
    %dma_wait3A_781 = arith.constant 11 : i32
    %dma_wait3A_782 = arith.constant 1408 : i32
    %dma_wait3A_783 = arith.constant 0 : i32
    %dma_wait3A_784 = tpu.memref_slice %arg22[%dma_wait3A_782, %dma_wait3A_783] : memref<1664x16xf32, #tpu.memory_space<vmem>> -> memref<128x16xf32, #tpu.memory_space<vmem>>
    %dma_wait3A_785 = arith.constant 0 : i32
    %dma_wait3A_786 = tpu.memref_slice %arg19[%dma_wait3A_781, %dma_wait3A_785] : memref<13x128xi32, #tpu.memory_space<vmem>> -> memref<1x128xi32, #tpu.memory_space<vmem>>
    %dma_wait3A_787 = tpu.memref_squeeze %dma_wait3A_786 : memref<1x128xi32, #tpu.memory_space<vmem>> -> memref<128xi32, #tpu.memory_space<vmem>>
    %dma_wait3A_788 = arith.constant 0 : i32
    %dma_wait3A_789 = arith.constant 0 : i32
    %dma_wait3A_790 = tpu.memref_slice %arg13[%dma_wait3A_788, %dma_wait3A_789] : memref<101009x16xf32, #tpu.memory_space<hbm>> -> memref<101009x16xf32, #tpu.memory_space<hbm>>
    tpu.wait_indirect_dma semaphore(%arg29 : memref<!tpu.dma_semaphore, #tpu.memory_space<semaphore_mem>>) src(%dma_wait3A_790 : memref<101009x16xf32, #tpu.memory_space<hbm>>) dst(%dma_wait3A_784 : memref<128x16xf32, #tpu.memory_space<vmem>>)
    %dma_wait3A_791 = arith.constant 12 : i32
    %dma_wait3A_792 = arith.constant 1536 : i32
    %dma_wait3A_793 = arith.constant 0 : i32
    %dma_wait3A_794 = tpu.memref_slice %arg22[%dma_wait3A_792, %dma_wait3A_793] : memref<1664x16xf32, #tpu.memory_space<vmem>> -> memref<128x16xf32, #tpu.memory_space<vmem>>
    %dma_wait3A_795 = arith.constant 0 : i32
    %dma_wait3A_796 = tpu.memref_slice %arg19[%dma_wait3A_791, %dma_wait3A_795] : memref<13x128xi32, #tpu.memory_space<vmem>> -> memref<1x128xi32, #tpu.memory_space<vmem>>
    %dma_wait3A_797 = tpu.memref_squeeze %dma_wait3A_796 : memref<1x128xi32, #tpu.memory_space<vmem>> -> memref<128xi32, #tpu.memory_space<vmem>>
    %dma_wait3A_798 = arith.constant 0 : i32
    %dma_wait3A_799 = arith.constant 0 : i32
    %dma_wait3A_800 = tpu.memref_slice %arg13[%dma_wait3A_798, %dma_wait3A_799] : memref<101009x16xf32, #tpu.memory_space<hbm>> -> memref<101009x16xf32, #tpu.memory_space<hbm>>
    tpu.wait_indirect_dma semaphore(%arg29 : memref<!tpu.dma_semaphore, #tpu.memory_space<semaphore_mem>>) src(%dma_wait3A_800 : memref<101009x16xf32, #tpu.memory_space<hbm>>) dst(%dma_wait3A_794 : memref<128x16xf32, #tpu.memory_space<vmem>>)
    %iota3A = tpu.iota {dimensions = array<i32: 0>} : vector<16xi32>
    %eq3A = arith.constant 15 : i32
    %eq3A_801 = vector.broadcast %eq3A : i32 to vector<16xi32>
    %eq3A_802 = arith.cmpi eq, %iota3A, %eq3A_801 : vector<16xi32>
    %scan3A = arith.constant 0 : i32
    %scan3A_803 = arith.constant 0 : i32
    %scan3A_804 = arith.constant 98 : i32
    %scan3A_805 = arith.addi %scan3A_803, %scan3A_804 : i32
    %scan3A_806 = arith.constant 1 : i32
    scf.for %scan3A_810 = %scan3A_803 to %scan3A_805 step %scan3A_806  : i32 {
      %mul3A_811 = arith.constant 16 : i32
      %mul3A_812 = arith.muli %scan3A_810, %mul3A_811 : i32
      %get3A = arith.index_cast %mul3A_812 : i32 to index
      %get3A_813 = tpu.vector_load %arg27[%get3A] {strides = array<i32>} : memref<1568xf32, #tpu.memory_space<vmem>>, vector<16xf32>,
      %get3A_814 = vector.shape_cast %get3A_813 : vector<16xf32> to vector<16xf32>
      %add3A_815 = arith.constant 0 : i32
      %add3A_816 = arith.addi %mul3A_812, %add3A_815 : i32
      %get3A_817 = arith.index_cast %add3A_816 : i32 to index
      %get3A_818 = arith.constant 0 : index
      %get3A_819 = tpu.vector_load %arg22[%get3A_817, %get3A_818] {strides = array<i32>} : memref<1664x16xf32, #tpu.memory_space<vmem>>, vector<1x16xf32>,
      %get3A_820 = vector.shape_cast %get3A_819 : vector<1x16xf32> to vector<16xf32>
      %slice3A = vector.extract_strided_slice %get3A_814 {offsets = [0], sizes = [1], strides = [1]} : vector<16xf32> to vector<1xf32>
      %squeeze3A = vector.extract %slice3A[0] : f32 from vector<1xf32>
      %broadcast_in_dim3A = vector.broadcast %squeeze3A : f32 to vector<16xf32>
      %select_n3A = arith.select %eq3A_802, %broadcast_in_dim3A, %get3A_820 : vector<16xi1>, vector<16xf32>
      %swap3A = arith.index_cast %add3A_816 : i32 to index
      %swap3A_821 = arith.constant 0 : index
      %swap3A_822 = tpu.vector_load %arg22[%swap3A, %swap3A_821] {strides = array<i32>} : memref<1664x16xf32, #tpu.memory_space<vmem>>, vector<1x16xf32>,
      %swap3A_823 = vector.shape_cast %swap3A_822 : vector<1x16xf32> to vector<16xf32>
      %swap3A_824 = vector.shape_cast %select_n3A : vector<16xf32> to vector<1x16xf32>
      tpu.vector_store %arg22[%swap3A, %swap3A_821], %swap3A_824 {strides = array<i32>} : memref<1664x16xf32, #tpu.memory_space<vmem>>, vector<1x16xf32>,
      %add3A_825 = arith.constant 1 : i32
      %add3A_826 = arith.addi %mul3A_812, %add3A_825 : i32
      %get3A_827 = arith.index_cast %add3A_826 : i32 to index
      %get3A_828 = arith.constant 0 : index
      %get3A_829 = tpu.vector_load %arg22[%get3A_827, %get3A_828] {strides = array<i32>} : memref<1664x16xf32, #tpu.memory_space<vmem>>, vector<1x16xf32>,
      %get3A_830 = vector.shape_cast %get3A_829 : vector<1x16xf32> to vector<16xf32>
      %slice3A_831 = vector.extract_strided_slice %get3A_814 {offsets = [1], sizes = [1], strides = [1]} : vector<16xf32> to vector<1xf32>
      %squeeze3A_832 = vector.extract %slice3A_831[0] : f32 from vector<1xf32>
      %broadcast_in_dim3A_833 = vector.broadcast %squeeze3A_832 : f32 to vector<16xf32>
      %select_n3A_834 = arith.select %eq3A_802, %broadcast_in_dim3A_833, %get3A_830 : vector<16xi1>, vector<16xf32>
      %swap3A_835 = arith.index_cast %add3A_826 : i32 to index
      %swap3A_836 = arith.constant 0 : index
      %swap3A_837 = tpu.vector_load %arg22[%swap3A_835, %swap3A_836] {strides = array<i32>} : memref<1664x16xf32, #tpu.memory_space<vmem>>, vector<1x16xf32>,
      %swap3A_838 = vector.shape_cast %swap3A_837 : vector<1x16xf32> to vector<16xf32>
      %swap3A_839 = vector.shape_cast %select_n3A_834 : vector<16xf32> to vector<1x16xf32>
      tpu.vector_store %arg22[%swap3A_835, %swap3A_836], %swap3A_839 {strides = array<i32>} : memref<1664x16xf32, #tpu.memory_space<vmem>>, vector<1x16xf32>,
      %add3A_840 = arith.constant 2 : i32
      %add3A_841 = arith.addi %mul3A_812, %add3A_840 : i32
      %get3A_842 = arith.index_cast %add3A_841 : i32 to index
      %get3A_843 = arith.constant 0 : index
      %get3A_844 = tpu.vector_load %arg22[%get3A_842, %get3A_843] {strides = array<i32>} : memref<1664x16xf32, #tpu.memory_space<vmem>>, vector<1x16xf32>,
      %get3A_845 = vector.shape_cast %get3A_844 : vector<1x16xf32> to vector<16xf32>
      %slice3A_846 = vector.extract_strided_slice %get3A_814 {offsets = [2], sizes = [1], strides = [1]} : vector<16xf32> to vector<1xf32>
      %squeeze3A_847 = vector.extract %slice3A_846[0] : f32 from vector<1xf32>
      %broadcast_in_dim3A_848 = vector.broadcast %squeeze3A_847 : f32 to vector<16xf32>
      %select_n3A_849 = arith.select %eq3A_802, %broadcast_in_dim3A_848, %get3A_845 : vector<16xi1>, vector<16xf32>
      %swap3A_850 = arith.index_cast %add3A_841 : i32 to index
      %swap3A_851 = arith.constant 0 : index
      %swap3A_852 = tpu.vector_load %arg22[%swap3A_850, %swap3A_851] {strides = array<i32>} : memref<1664x16xf32, #tpu.memory_space<vmem>>, vector<1x16xf32>,
      %swap3A_853 = vector.shape_cast %swap3A_852 : vector<1x16xf32> to vector<16xf32>
      %swap3A_854 = vector.shape_cast %select_n3A_849 : vector<16xf32> to vector<1x16xf32>
      tpu.vector_store %arg22[%swap3A_850, %swap3A_851], %swap3A_854 {strides = array<i32>} : memref<1664x16xf32, #tpu.memory_space<vmem>>, vector<1x16xf32>,
      %add3A_855 = arith.constant 3 : i32
      %add3A_856 = arith.addi %mul3A_812, %add3A_855 : i32
      %get3A_857 = arith.index_cast %add3A_856 : i32 to index
      %get3A_858 = arith.constant 0 : index
      %get3A_859 = tpu.vector_load %arg22[%get3A_857, %get3A_858] {strides = array<i32>} : memref<1664x16xf32, #tpu.memory_space<vmem>>, vector<1x16xf32>,
      %get3A_860 = vector.shape_cast %get3A_859 : vector<1x16xf32> to vector<16xf32>
      %slice3A_861 = vector.extract_strided_slice %get3A_814 {offsets = [3], sizes = [1], strides = [1]} : vector<16xf32> to vector<1xf32>
      %squeeze3A_862 = vector.extract %slice3A_861[0] : f32 from vector<1xf32>
      %broadcast_in_dim3A_863 = vector.broadcast %squeeze3A_862 : f32 to vector<16xf32>
      %select_n3A_864 = arith.select %eq3A_802, %broadcast_in_dim3A_863, %get3A_860 : vector<16xi1>, vector<16xf32>
      %swap3A_865 = arith.index_cast %add3A_856 : i32 to index
      %swap3A_866 = arith.constant 0 : index
      %swap3A_867 = tpu.vector_load %arg22[%swap3A_865, %swap3A_866] {strides = array<i32>} : memref<1664x16xf32, #tpu.memory_space<vmem>>, vector<1x16xf32>,
      %swap3A_868 = vector.shape_cast %swap3A_867 : vector<1x16xf32> to vector<16xf32>
      %swap3A_869 = vector.shape_cast %select_n3A_864 : vector<16xf32> to vector<1x16xf32>
      tpu.vector_store %arg22[%swap3A_865, %swap3A_866], %swap3A_869 {strides = array<i32>} : memref<1664x16xf32, #tpu.memory_space<vmem>>, vector<1x16xf32>,
      %add3A_870 = arith.constant 4 : i32
      %add3A_871 = arith.addi %mul3A_812, %add3A_870 : i32
      %get3A_872 = arith.index_cast %add3A_871 : i32 to index
      %get3A_873 = arith.constant 0 : index
      %get3A_874 = tpu.vector_load %arg22[%get3A_872, %get3A_873] {strides = array<i32>} : memref<1664x16xf32, #tpu.memory_space<vmem>>, vector<1x16xf32>,
      %get3A_875 = vector.shape_cast %get3A_874 : vector<1x16xf32> to vector<16xf32>
      %slice3A_876 = vector.extract_strided_slice %get3A_814 {offsets = [4], sizes = [1], strides = [1]} : vector<16xf32> to vector<1xf32>
      %squeeze3A_877 = vector.extract %slice3A_876[0] : f32 from vector<1xf32>
      %broadcast_in_dim3A_878 = vector.broadcast %squeeze3A_877 : f32 to vector<16xf32>
      %select_n3A_879 = arith.select %eq3A_802, %broadcast_in_dim3A_878, %get3A_875 : vector<16xi1>, vector<16xf32>
      %swap3A_880 = arith.index_cast %add3A_871 : i32 to index
      %swap3A_881 = arith.constant 0 : index
      %swap3A_882 = tpu.vector_load %arg22[%swap3A_880, %swap3A_881] {strides = array<i32>} : memref<1664x16xf32, #tpu.memory_space<vmem>>, vector<1x16xf32>,
      %swap3A_883 = vector.shape_cast %swap3A_882 : vector<1x16xf32> to vector<16xf32>
      %swap3A_884 = vector.shape_cast %select_n3A_879 : vector<16xf32> to vector<1x16xf32>
      tpu.vector_store %arg22[%swap3A_880, %swap3A_881], %swap3A_884 {strides = array<i32>} : memref<1664x16xf32, #tpu.memory_space<vmem>>, vector<1x16xf32>,
      %add3A_885 = arith.constant 5 : i32
      %add3A_886 = arith.addi %mul3A_812, %add3A_885 : i32
      %get3A_887 = arith.index_cast %add3A_886 : i32 to index
      %get3A_888 = arith.constant 0 : index
      %get3A_889 = tpu.vector_load %arg22[%get3A_887, %get3A_888] {strides = array<i32>} : memref<1664x16xf32, #tpu.memory_space<vmem>>, vector<1x16xf32>,
      %get3A_890 = vector.shape_cast %get3A_889 : vector<1x16xf32> to vector<16xf32>
      %slice3A_891 = vector.extract_strided_slice %get3A_814 {offsets = [5], sizes = [1], strides = [1]} : vector<16xf32> to vector<1xf32>
      %squeeze3A_892 = vector.extract %slice3A_891[0] : f32 from vector<1xf32>
      %broadcast_in_dim3A_893 = vector.broadcast %squeeze3A_892 : f32 to vector<16xf32>
      %select_n3A_894 = arith.select %eq3A_802, %broadcast_in_dim3A_893, %get3A_890 : vector<16xi1>, vector<16xf32>
      %swap3A_895 = arith.index_cast %add3A_886 : i32 to index
      %swap3A_896 = arith.constant 0 : index
      %swap3A_897 = tpu.vector_load %arg22[%swap3A_895, %swap3A_896] {strides = array<i32>} : memref<1664x16xf32, #tpu.memory_space<vmem>>, vector<1x16xf32>,
      %swap3A_898 = vector.shape_cast %swap3A_897 : vector<1x16xf32> to vector<16xf32>
      %swap3A_899 = vector.shape_cast %select_n3A_894 : vector<16xf32> to vector<1x16xf32>
      tpu.vector_store %arg22[%swap3A_895, %swap3A_896], %swap3A_899 {strides = array<i32>} : memref<1664x16xf32, #tpu.memory_space<vmem>>, vector<1x16xf32>,
      %add3A_900 = arith.constant 6 : i32
      %add3A_901 = arith.addi %mul3A_812, %add3A_900 : i32
      %get3A_902 = arith.index_cast %add3A_901 : i32 to index
      %get3A_903 = arith.constant 0 : index
      %get3A_904 = tpu.vector_load %arg22[%get3A_902, %get3A_903] {strides = array<i32>} : memref<1664x16xf32, #tpu.memory_space<vmem>>, vector<1x16xf32>,
      %get3A_905 = vector.shape_cast %get3A_904 : vector<1x16xf32> to vector<16xf32>
      %slice3A_906 = vector.extract_strided_slice %get3A_814 {offsets = [6], sizes = [1], strides = [1]} : vector<16xf32> to vector<1xf32>
      %squeeze3A_907 = vector.extract %slice3A_906[0] : f32 from vector<1xf32>
      %broadcast_in_dim3A_908 = vector.broadcast %squeeze3A_907 : f32 to vector<16xf32>
      %select_n3A_909 = arith.select %eq3A_802, %broadcast_in_dim3A_908, %get3A_905 : vector<16xi1>, vector<16xf32>
      %swap3A_910 = arith.index_cast %add3A_901 : i32 to index
      %swap3A_911 = arith.constant 0 : index
      %swap3A_912 = tpu.vector_load %arg22[%swap3A_910, %swap3A_911] {strides = array<i32>} : memref<1664x16xf32, #tpu.memory_space<vmem>>, vector<1x16xf32>,
      %swap3A_913 = vector.shape_cast %swap3A_912 : vector<1x16xf32> to vector<16xf32>
      %swap3A_914 = vector.shape_cast %select_n3A_909 : vector<16xf32> to vector<1x16xf32>
      tpu.vector_store %arg22[%swap3A_910, %swap3A_911], %swap3A_914 {strides = array<i32>} : memref<1664x16xf32, #tpu.memory_space<vmem>>, vector<1x16xf32>,
      %add3A_915 = arith.constant 7 : i32
      %add3A_916 = arith.addi %mul3A_812, %add3A_915 : i32
      %get3A_917 = arith.index_cast %add3A_916 : i32 to index
      %get3A_918 = arith.constant 0 : index
      %get3A_919 = tpu.vector_load %arg22[%get3A_917, %get3A_918] {strides = array<i32>} : memref<1664x16xf32, #tpu.memory_space<vmem>>, vector<1x16xf32>,
      %get3A_920 = vector.shape_cast %get3A_919 : vector<1x16xf32> to vector<16xf32>
      %slice3A_921 = vector.extract_strided_slice %get3A_814 {offsets = [7], sizes = [1], strides = [1]} : vector<16xf32> to vector<1xf32>
      %squeeze3A_922 = vector.extract %slice3A_921[0] : f32 from vector<1xf32>
      %broadcast_in_dim3A_923 = vector.broadcast %squeeze3A_922 : f32 to vector<16xf32>
      %select_n3A_924 = arith.select %eq3A_802, %broadcast_in_dim3A_923, %get3A_920 : vector<16xi1>, vector<16xf32>
      %swap3A_925 = arith.index_cast %add3A_916 : i32 to index
      %swap3A_926 = arith.constant 0 : index
      %swap3A_927 = tpu.vector_load %arg22[%swap3A_925, %swap3A_926] {strides = array<i32>} : memref<1664x16xf32, #tpu.memory_space<vmem>>, vector<1x16xf32>,
      %swap3A_928 = vector.shape_cast %swap3A_927 : vector<1x16xf32> to vector<16xf32>
      %swap3A_929 = vector.shape_cast %select_n3A_924 : vector<16xf32> to vector<1x16xf32>
      tpu.vector_store %arg22[%swap3A_925, %swap3A_926], %swap3A_929 {strides = array<i32>} : memref<1664x16xf32, #tpu.memory_space<vmem>>, vector<1x16xf32>,
      %add3A_930 = arith.constant 8 : i32
      %add3A_931 = arith.addi %mul3A_812, %add3A_930 : i32
      %get3A_932 = arith.index_cast %add3A_931 : i32 to index
      %get3A_933 = arith.constant 0 : index
      %get3A_934 = tpu.vector_load %arg22[%get3A_932, %get3A_933] {strides = array<i32>} : memref<1664x16xf32, #tpu.memory_space<vmem>>, vector<1x16xf32>,
      %get3A_935 = vector.shape_cast %get3A_934 : vector<1x16xf32> to vector<16xf32>
      %slice3A_936 = vector.extract_strided_slice %get3A_814 {offsets = [8], sizes = [1], strides = [1]} : vector<16xf32> to vector<1xf32>
      %squeeze3A_937 = vector.extract %slice3A_936[0] : f32 from vector<1xf32>
      %broadcast_in_dim3A_938 = vector.broadcast %squeeze3A_937 : f32 to vector<16xf32>
      %select_n3A_939 = arith.select %eq3A_802, %broadcast_in_dim3A_938, %get3A_935 : vector<16xi1>, vector<16xf32>
      %swap3A_940 = arith.index_cast %add3A_931 : i32 to index
      %swap3A_941 = arith.constant 0 : index
      %swap3A_942 = tpu.vector_load %arg22[%swap3A_940, %swap3A_941] {strides = array<i32>} : memref<1664x16xf32, #tpu.memory_space<vmem>>, vector<1x16xf32>,
      %swap3A_943 = vector.shape_cast %swap3A_942 : vector<1x16xf32> to vector<16xf32>
      %swap3A_944 = vector.shape_cast %select_n3A_939 : vector<16xf32> to vector<1x16xf32>
      tpu.vector_store %arg22[%swap3A_940, %swap3A_941], %swap3A_944 {strides = array<i32>} : memref<1664x16xf32, #tpu.memory_space<vmem>>, vector<1x16xf32>,
      %add3A_945 = arith.constant 9 : i32
      %add3A_946 = arith.addi %mul3A_812, %add3A_945 : i32
      %get3A_947 = arith.index_cast %add3A_946 : i32 to index
      %get3A_948 = arith.constant 0 : index
      %get3A_949 = tpu.vector_load %arg22[%get3A_947, %get3A_948] {strides = array<i32>} : memref<1664x16xf32, #tpu.memory_space<vmem>>, vector<1x16xf32>,
      %get3A_950 = vector.shape_cast %get3A_949 : vector<1x16xf32> to vector<16xf32>
      %slice3A_951 = vector.extract_strided_slice %get3A_814 {offsets = [9], sizes = [1], strides = [1]} : vector<16xf32> to vector<1xf32>
      %squeeze3A_952 = vector.extract %slice3A_951[0] : f32 from vector<1xf32>
      %broadcast_in_dim3A_953 = vector.broadcast %squeeze3A_952 : f32 to vector<16xf32>
      %select_n3A_954 = arith.select %eq3A_802, %broadcast_in_dim3A_953, %get3A_950 : vector<16xi1>, vector<16xf32>
      %swap3A_955 = arith.index_cast %add3A_946 : i32 to index
      %swap3A_956 = arith.constant 0 : index
      %swap3A_957 = tpu.vector_load %arg22[%swap3A_955, %swap3A_956] {strides = array<i32>} : memref<1664x16xf32, #tpu.memory_space<vmem>>, vector<1x16xf32>,
      %swap3A_958 = vector.shape_cast %swap3A_957 : vector<1x16xf32> to vector<16xf32>
      %swap3A_959 = vector.shape_cast %select_n3A_954 : vector<16xf32> to vector<1x16xf32>
      tpu.vector_store %arg22[%swap3A_955, %swap3A_956], %swap3A_959 {strides = array<i32>} : memref<1664x16xf32, #tpu.memory_space<vmem>>, vector<1x16xf32>,
      %add3A_960 = arith.constant 10 : i32
      %add3A_961 = arith.addi %mul3A_812, %add3A_960 : i32
      %get3A_962 = arith.index_cast %add3A_961 : i32 to index
      %get3A_963 = arith.constant 0 : index
      %get3A_964 = tpu.vector_load %arg22[%get3A_962, %get3A_963] {strides = array<i32>} : memref<1664x16xf32, #tpu.memory_space<vmem>>, vector<1x16xf32>,
      %get3A_965 = vector.shape_cast %get3A_964 : vector<1x16xf32> to vector<16xf32>
      %slice3A_966 = vector.extract_strided_slice %get3A_814 {offsets = [10], sizes = [1], strides = [1]} : vector<16xf32> to vector<1xf32>
      %squeeze3A_967 = vector.extract %slice3A_966[0] : f32 from vector<1xf32>
      %broadcast_in_dim3A_968 = vector.broadcast %squeeze3A_967 : f32 to vector<16xf32>
      %select_n3A_969 = arith.select %eq3A_802, %broadcast_in_dim3A_968, %get3A_965 : vector<16xi1>, vector<16xf32>
      %swap3A_970 = arith.index_cast %add3A_961 : i32 to index
      %swap3A_971 = arith.constant 0 : index
      %swap3A_972 = tpu.vector_load %arg22[%swap3A_970, %swap3A_971] {strides = array<i32>} : memref<1664x16xf32, #tpu.memory_space<vmem>>, vector<1x16xf32>,
      %swap3A_973 = vector.shape_cast %swap3A_972 : vector<1x16xf32> to vector<16xf32>
      %swap3A_974 = vector.shape_cast %select_n3A_969 : vector<16xf32> to vector<1x16xf32>
      tpu.vector_store %arg22[%swap3A_970, %swap3A_971], %swap3A_974 {strides = array<i32>} : memref<1664x16xf32, #tpu.memory_space<vmem>>, vector<1x16xf32>,
      %add3A_975 = arith.constant 11 : i32
      %add3A_976 = arith.addi %mul3A_812, %add3A_975 : i32
      %get3A_977 = arith.index_cast %add3A_976 : i32 to index
      %get3A_978 = arith.constant 0 : index
      %get3A_979 = tpu.vector_load %arg22[%get3A_977, %get3A_978] {strides = array<i32>} : memref<1664x16xf32, #tpu.memory_space<vmem>>, vector<1x16xf32>,
      %get3A_980 = vector.shape_cast %get3A_979 : vector<1x16xf32> to vector<16xf32>
      %slice3A_981 = vector.extract_strided_slice %get3A_814 {offsets = [11], sizes = [1], strides = [1]} : vector<16xf32> to vector<1xf32>
      %squeeze3A_982 = vector.extract %slice3A_981[0] : f32 from vector<1xf32>
      %broadcast_in_dim3A_983 = vector.broadcast %squeeze3A_982 : f32 to vector<16xf32>
      %select_n3A_984 = arith.select %eq3A_802, %broadcast_in_dim3A_983, %get3A_980 : vector<16xi1>, vector<16xf32>
      %swap3A_985 = arith.index_cast %add3A_976 : i32 to index
      %swap3A_986 = arith.constant 0 : index
      %swap3A_987 = tpu.vector_load %arg22[%swap3A_985, %swap3A_986] {strides = array<i32>} : memref<1664x16xf32, #tpu.memory_space<vmem>>, vector<1x16xf32>,
      %swap3A_988 = vector.shape_cast %swap3A_987 : vector<1x16xf32> to vector<16xf32>
      %swap3A_989 = vector.shape_cast %select_n3A_984 : vector<16xf32> to vector<1x16xf32>
      tpu.vector_store %arg22[%swap3A_985, %swap3A_986], %swap3A_989 {strides = array<i32>} : memref<1664x16xf32, #tpu.memory_space<vmem>>, vector<1x16xf32>,
      %add3A_990 = arith.constant 12 : i32
      %add3A_991 = arith.addi %mul3A_812, %add3A_990 : i32
      %get3A_992 = arith.index_cast %add3A_991 : i32 to index
      %get3A_993 = arith.constant 0 : index
      %get3A_994 = tpu.vector_load %arg22[%get3A_992, %get3A_993] {strides = array<i32>} : memref<1664x16xf32, #tpu.memory_space<vmem>>, vector<1x16xf32>,
      %get3A_995 = vector.shape_cast %get3A_994 : vector<1x16xf32> to vector<16xf32>
      %slice3A_996 = vector.extract_strided_slice %get3A_814 {offsets = [12], sizes = [1], strides = [1]} : vector<16xf32> to vector<1xf32>
      %squeeze3A_997 = vector.extract %slice3A_996[0] : f32 from vector<1xf32>
      %broadcast_in_dim3A_998 = vector.broadcast %squeeze3A_997 : f32 to vector<16xf32>
      %select_n3A_999 = arith.select %eq3A_802, %broadcast_in_dim3A_998, %get3A_995 : vector<16xi1>, vector<16xf32>
      %swap3A_1000 = arith.index_cast %add3A_991 : i32 to index
      %swap3A_1001 = arith.constant 0 : index
      %swap3A_1002 = tpu.vector_load %arg22[%swap3A_1000, %swap3A_1001] {strides = array<i32>} : memref<1664x16xf32, #tpu.memory_space<vmem>>, vector<1x16xf32>,
      %swap3A_1003 = vector.shape_cast %swap3A_1002 : vector<1x16xf32> to vector<16xf32>
      %swap3A_1004 = vector.shape_cast %select_n3A_999 : vector<16xf32> to vector<1x16xf32>
      tpu.vector_store %arg22[%swap3A_1000, %swap3A_1001], %swap3A_1004 {strides = array<i32>} : memref<1664x16xf32, #tpu.memory_space<vmem>>, vector<1x16xf32>,
      %add3A_1005 = arith.constant 13 : i32
      %add3A_1006 = arith.addi %mul3A_812, %add3A_1005 : i32
      %get3A_1007 = arith.index_cast %add3A_1006 : i32 to index
      %get3A_1008 = arith.constant 0 : index
      %get3A_1009 = tpu.vector_load %arg22[%get3A_1007, %get3A_1008] {strides = array<i32>} : memref<1664x16xf32, #tpu.memory_space<vmem>>, vector<1x16xf32>,
      %get3A_1010 = vector.shape_cast %get3A_1009 : vector<1x16xf32> to vector<16xf32>
      %slice3A_1011 = vector.extract_strided_slice %get3A_814 {offsets = [13], sizes = [1], strides = [1]} : vector<16xf32> to vector<1xf32>
      %squeeze3A_1012 = vector.extract %slice3A_1011[0] : f32 from vector<1xf32>
      %broadcast_in_dim3A_1013 = vector.broadcast %squeeze3A_1012 : f32 to vector<16xf32>
      %select_n3A_1014 = arith.select %eq3A_802, %broadcast_in_dim3A_1013, %get3A_1010 : vector<16xi1>, vector<16xf32>
      %swap3A_1015 = arith.index_cast %add3A_1006 : i32 to index
      %swap3A_1016 = arith.constant 0 : index
      %swap3A_1017 = tpu.vector_load %arg22[%swap3A_1015, %swap3A_1016] {strides = array<i32>} : memref<1664x16xf32, #tpu.memory_space<vmem>>, vector<1x16xf32>,
      %swap3A_1018 = vector.shape_cast %swap3A_1017 : vector<1x16xf32> to vector<16xf32>
      %swap3A_1019 = vector.shape_cast %select_n3A_1014 : vector<16xf32> to vector<1x16xf32>
      tpu.vector_store %arg22[%swap3A_1015, %swap3A_1016], %swap3A_1019 {strides = array<i32>} : memref<1664x16xf32, #tpu.memory_space<vmem>>, vector<1x16xf32>,
      %add3A_1020 = arith.constant 14 : i32
      %add3A_1021 = arith.addi %mul3A_812, %add3A_1020 : i32
      %get3A_1022 = arith.index_cast %add3A_1021 : i32 to index
      %get3A_1023 = arith.constant 0 : index
      %get3A_1024 = tpu.vector_load %arg22[%get3A_1022, %get3A_1023] {strides = array<i32>} : memref<1664x16xf32, #tpu.memory_space<vmem>>, vector<1x16xf32>,
      %get3A_1025 = vector.shape_cast %get3A_1024 : vector<1x16xf32> to vector<16xf32>
      %slice3A_1026 = vector.extract_strided_slice %get3A_814 {offsets = [14], sizes = [1], strides = [1]} : vector<16xf32> to vector<1xf32>
      %squeeze3A_1027 = vector.extract %slice3A_1026[0] : f32 from vector<1xf32>
      %broadcast_in_dim3A_1028 = vector.broadcast %squeeze3A_1027 : f32 to vector<16xf32>
      %select_n3A_1029 = arith.select %eq3A_802, %broadcast_in_dim3A_1028, %get3A_1025 : vector<16xi1>, vector<16xf32>
      %swap3A_1030 = arith.index_cast %add3A_1021 : i32 to index
      %swap3A_1031 = arith.constant 0 : index
      %swap3A_1032 = tpu.vector_load %arg22[%swap3A_1030, %swap3A_1031] {strides = array<i32>} : memref<1664x16xf32, #tpu.memory_space<vmem>>, vector<1x16xf32>,
      %swap3A_1033 = vector.shape_cast %swap3A_1032 : vector<1x16xf32> to vector<16xf32>
      %swap3A_1034 = vector.shape_cast %select_n3A_1029 : vector<16xf32> to vector<1x16xf32>
      tpu.vector_store %arg22[%swap3A_1030, %swap3A_1031], %swap3A_1034 {strides = array<i32>} : memref<1664x16xf32, #tpu.memory_space<vmem>>, vector<1x16xf32>,
      %add3A_1035 = arith.constant 15 : i32
      %add3A_1036 = arith.addi %mul3A_812, %add3A_1035 : i32
      %get3A_1037 = arith.index_cast %add3A_1036 : i32 to index
      %get3A_1038 = arith.constant 0 : index
      %get3A_1039 = tpu.vector_load %arg22[%get3A_1037, %get3A_1038] {strides = array<i32>} : memref<1664x16xf32, #tpu.memory_space<vmem>>, vector<1x16xf32>,
      %get3A_1040 = vector.shape_cast %get3A_1039 : vector<1x16xf32> to vector<16xf32>
      %slice3A_1041 = vector.extract_strided_slice %get3A_814 {offsets = [15], sizes = [1], strides = [1]} : vector<16xf32> to vector<1xf32>
      %squeeze3A_1042 = vector.extract %slice3A_1041[0] : f32 from vector<1xf32>
      %broadcast_in_dim3A_1043 = vector.broadcast %squeeze3A_1042 : f32 to vector<16xf32>
      %select_n3A_1044 = arith.select %eq3A_802, %broadcast_in_dim3A_1043, %get3A_1040 : vector<16xi1>, vector<16xf32>
      %swap3A_1045 = arith.index_cast %add3A_1036 : i32 to index
      %swap3A_1046 = arith.constant 0 : index
      %swap3A_1047 = tpu.vector_load %arg22[%swap3A_1045, %swap3A_1046] {strides = array<i32>} : memref<1664x16xf32, #tpu.memory_space<vmem>>, vector<1x16xf32>,
      %swap3A_1048 = vector.shape_cast %swap3A_1047 : vector<1x16xf32> to vector<16xf32>
      %swap3A_1049 = vector.shape_cast %select_n3A_1044 : vector<16xf32> to vector<1x16xf32>
      tpu.vector_store %arg22[%swap3A_1045, %swap3A_1046], %swap3A_1049 {strides = array<i32>} : memref<1664x16xf32, #tpu.memory_space<vmem>>, vector<1x16xf32>,
    }
    %scan3A_807 = arith.constant 98 : i32
    %mul3A_808 = arith.constant 1568 : i32
    %mul3A_809 = arith.muli %add3A, %mul3A_808 : i32
    "tpu.region"() ({
      %run_scoped3A = tpu.sem_alloc : memref<!tpu.dma_semaphore, #tpu.memory_space<semaphore_mem>>
      %dma_start3A_810 = arith.constant 0 : i32
      %dma_start3A_811 = arith.constant 0 : i32
      %dma_start3A_812 = tpu.memref_slice %arg22[%dma_start3A_810, %dma_start3A_811] : memref<1664x16xf32, #tpu.memory_space<vmem>> -> memref<1568x16xf32, #tpu.memory_space<vmem>>
      %dma_start3A_813 = arith.constant 0 : i32
      %dma_start3A_814 = tpu.memref_slice %arg16[%mul3A_809, %dma_start3A_813] : memref<50176x16xf32, #tpu.memory_space<hbm>> -> memref<1568x16xf32, #tpu.memory_space<hbm>>
      %dma_start3A_815 = arith.constant 0 : i32
      %dma_start3A_816 = tpu.memref_slice %arg16[%mul3A_809, %dma_start3A_815] : memref<50176x16xf32, #tpu.memory_space<hbm>> -> memref<1568x16xf32, #tpu.memory_space<hbm>>
      %dma_start3A_817 = arith.constant 0 : i32
      %dma_start3A_818 = arith.constant 0 : i32
      %dma_start3A_819 = tpu.memref_slice %arg22[%dma_start3A_817, %dma_start3A_818] : memref<1664x16xf32, #tpu.memory_space<vmem>> -> memref<1568x16xf32, #tpu.memory_space<vmem>>
      tpu.enqueue_dma source(%dma_start3A_819 : memref<1568x16xf32, #tpu.memory_space<vmem>>) target(%dma_start3A_816 : memref<1568x16xf32, #tpu.memory_space<hbm>>) target_semaphore(%run_scoped3A : memref<!tpu.dma_semaphore, #tpu.memory_space<semaphore_mem>>)
      %dma_wait3A_820 = arith.constant 0 : i32
      %dma_wait3A_821 = arith.constant 0 : i32
      %dma_wait3A_822 = tpu.memref_slice %arg22[%dma_wait3A_820, %dma_wait3A_821] : memref<1664x16xf32, #tpu.memory_space<vmem>> -> memref<1568x16xf32, #tpu.memory_space<vmem>>
      %dma_wait3A_823 = arith.constant 0 : i32
      %dma_wait3A_824 = tpu.memref_slice %arg16[%mul3A_809, %dma_wait3A_823] : memref<50176x16xf32, #tpu.memory_space<hbm>> -> memref<1568x16xf32, #tpu.memory_space<hbm>>
      %dma_wait3A_825 = arith.constant 0 : i32
      %dma_wait3A_826 = tpu.memref_slice %arg16[%mul3A_809, %dma_wait3A_825] : memref<50176x16xf32, #tpu.memory_space<hbm>> -> memref<1568x16xf32, #tpu.memory_space<hbm>>
      %dma_wait3A_827 = arith.constant 0 : i32
      %dma_wait3A_828 = arith.constant 0 : i32
      %dma_wait3A_829 = tpu.memref_slice %arg22[%dma_wait3A_827, %dma_wait3A_828] : memref<1664x16xf32, #tpu.memory_space<vmem>> -> memref<1568x16xf32, #tpu.memory_space<vmem>>
      tpu.wait_dma2 semaphore(%run_scoped3A : memref<!tpu.dma_semaphore, #tpu.memory_space<semaphore_mem>>) src(%dma_wait3A_829 : memref<1568x16xf32, #tpu.memory_space<vmem>>) dst(%dma_wait3A_826 : memref<1568x16xf32, #tpu.memory_space<hbm>>)
      tpu.yield
    }) : () -> ()
    return
  }
}

</mosaic_0001>

<sc_bundles>
// kernel: kernel.3.cloned.1.call-start
scs
__scs_entry_jumppad:
0x0: {  	(pc) =	sbr.rel $0x88, $3  }
0x1: {  	(tag) =	ssettag $0x0;
	lr =	simm.s32 $0x1  }
0x2: {  	[smem:$0x3F8A] =	sst lr;
	_ =	strace $0xD0000000  }
0x3: {  	_ = 	snop  }
0x4: {  	_ = 	snop  }
0x5: {  	_ = 	snop  }
0x6: {  	_ = 	snop  }
0x7: {  	_ = 	snop  }
__scs_overlays_trampoline_lowered:
0x8: {  	[smem:$0x3F99] =	sst s0  }
0x9: {  	[smem:$0x3F9A] =	sst s1  }
0xa: {  	[smem:$0x3F9B] =	sst s2  }
0xb: {  	[smem:$0x3F9C] =	sst s3  }
0xc: {  	[smem:$0x3F9D] =	sst s4  }
0xd: {  	[smem:$0x3F9E] =	sst s5  }
0xe: {  	[smem:$0x3F9F] =	sst s6  }
0xf: {  	[smem:$0x3FA0] =	sst s7  }
0x10: {  	[smem:$0x3FA1] =	sst s8  }
0x11: {  	[smem:$0x3FA2] =	sst s9;
	s0 =	simm.s32 @!p0 $0x0  }
0x12: {  	s1 =	sld [smem:$0x3F88];
	s0 =	simm.s32 @p0 $0x1  }
0x13: {  	[smem:$0x3FA3] =	sst s0;
	s0 =	simm.s32 @!p1 $0x0  }
0x14: {  	s2 =	sld [smem:$0x3F87];
	s0 =	simm.s32 @p1 $0x1  }
0x15: {  	[smem:$0x3FA4] =	sst s0;
	s0 =	simm.s32 @!p2 $0x0  }
0x16: {  	s3 =	sld [smem:$0x3FDB];
	s0 =	simm.s32 @p2 $0x1  }
0x17: {  	s4 =	simm.s32 $0x1BF5;
	[smem:$0x3FA6] =	sst s0  }
0x18: {  	s0 =	sld [smem:$0x3F89];
	_ =	swait.ge [sflag:s4], $0x0  }
0x19: {  	s7 =	sld [smem:$0x3F8A]  }
0x1a: {  	s8 =	sadd.s32 $0xFFFFE003, lr  }
0x1b: {  	s9 =	sadd.s32 $0xFFFFFEF7, lr;
	s5 =	simm.s32 $0xFFFFFFFF;
	p2 =	slt.u32 s8, $0xFFFFF086  }
0x1c: {  	p1 =	slt.u32 s9, $0xF7A;
	s5 =	simm.s32 @!p2 $0x0  }
0x1d: {  	s5 =	simm.s32 @p1 $0x1;
	p0 =	seq.s32 s7, s2  }
0x1e: {  	s7 =	smul.u32 @!p0 $0xF7A, s2;
	p2 =	seq.s32 @!p0 s5, $0x0  }
0x1f: {  	s9 =	smul.u32 $0xF7A, s1;
	s8 =	simm.s32 @!p0 $0x1BF5;
	p2 =	por !p2, p0  }
0x20: {  	[sflag:s8] =	ssyncset.s32 @!p0 $0xFFFFF086;
	s6 =	sadd.s32 @!p0 s3, s7;
	s7 =	simm.s32 @!p0 $0x108  }
0x21: {  	s3 =	sadd.s32 s3, s9;
	s6 =	sadd.s32 @!p0 $0x88, s6;
	s7 =	simm.s32 @p2 $0x1082  }
0x22: {  	[simem:s7], [sflag:s8] =	dma.local @!p0 [hbm:s6], $0xF7A  }
0x23: {  	s9 =	sor.u32 $0xD0000000, s2;
	s6 =	simm.s32 $0x108;
	_ =	swait.ge @!p0 [sflag:s8], $0x0  }
0x24: {  	s3 =	sadd.s32 $0x88, s3;
	s6 =	simm.s32 @!p1 $0x1082;
	[sflag:s4] =	ssyncset.s32 $0xFFFFF086  }
0x25: {  	[simem:s6], [sflag:s4] =	dma.local [hbm:s3], $0xF7A  }
0x26: {  	[smem:$0x3F8A] =	sst s1;
	(tag) =	ssettag s2;
	_ =	strace s9  }
0x27: {  	s1 =	sld [smem:$0x3F9A]  }
0x28: {  	s2 =	sld [smem:$0x3F9B]  }
0x29: {  	s4 =	sld [smem:$0x3F9D]  }
0x2a: {  	p0 =	seq.s32 s5, $0x0;
	s5 =	sld [smem:$0x3F9E]  }
0x2b: {  	s6 =	sld [smem:$0x3F9F]  }
0x2c: {  	s7 =	sld [smem:$0x3FA0]  }
0x2d: {  	s3 =	simm.s32 $0x108;
	s8 =	sld [smem:$0x3FA1]  }
0x2e: {  	s3 =	simm.s32 @!p0 $0x1082;
	s9 =	sld [smem:$0x3FA2]  }
0x2f: {  	lr =	sadd.s32 s0, s3;
	s0 =	sld [smem:$0x3F99]  }
0x30: {  	s3 =	sld [smem:$0x3F9C]  }
0x31: {  	[smem:$0x3FA5] =	sst s10  }
0x32: {  	s10 =	sld [smem:$0x3FA3];
	_ =	sdelay $0x3  }
0x33: {  	p0 =	seq.s32 s10, $0x1;
	s10 =	sld [smem:$0x3FA5];
	_ =	sdelay $0x3  }
0x34: {  	[smem:$0x3FA5] =	sst s10  }
0x35: {  	s10 =	sld [smem:$0x3FA4];
	_ =	sdelay $0x3  }
0x36: {  	p1 =	seq.s32 s10, $0x1;
	s10 =	sld [smem:$0x3FA5];
	_ =	sdelay $0x3  }
0x37: {  	[smem:$0x3FA5] =	sst s10  }
0x38: {  	s10 =	sld [smem:$0x3FA6]  }
0x39: {  	_ = 	snop;
	(pc) =	sbr.ind lr, $3  }
0x3a: {  	_ = 	snop  }
0x3b: {  	_ = 	snop  }
0x3c: {  	p2 =	seq.s32 s10, $0x1;
	s10 =	sld [smem:$0x3FA5]  }
0x3d: {  	_ =	shalt  }
0x3e: {  	_ =	shalt  }
0x3f: {  	_ =	shalt  }
0x40: {  	_ =	shalt  }
0x41: {  	_ =	shalt  }
0x42: {  	_ =	shalt  }
0x43: {  	_ =	shalt  }
0x44: {  	_ =	shalt  }
0x45: {  	_ =	shalt  }
0x46: {  	_ =	shalt  }
0x47: {  	_ =	shalt  }
0x48: {  	_ =	shalt  }
0x49: {  	_ =	shalt  }
0x4a: {  	_ =	shalt  }
0x4b: {  	_ =	shalt  }
0x4c: {  	_ =	shalt  }
0x4d: {  	_ =	shalt  }
0x4e: {  	_ =	shalt  }
0x4f: {  	_ =	shalt  }
0x50: {  	_ =	shalt  }
0x51: {  	_ =	shalt  }
0x52: {  	_ =	shalt  }
0x53: {  	_ =	shalt  }
0x54: {  	_ =	shalt  }
0x55: {  	_ =	shalt  }
0x56: {  	_ =	shalt  }
0x57: {  	_ =	shalt  }
0x58: {  	_ =	shalt  }
0x59: {  	_ =	shalt  }
0x5a: {  	_ =	shalt  }
0x5b: {  	_ =	shalt  }
0x5c: {  	_ =	shalt  }
0x5d: {  	_ =	shalt  }
0x5e: {  	_ =	shalt  }
0x5f: {  	_ =	shalt  }
0x60: {  	_ =	shalt  }
0x61: {  	_ =	shalt  }
0x62: {  	_ =	shalt  }
0x63: {  	_ =	shalt  }
0x64: {  	_ =	shalt  }
0x65: {  	_ =	shalt  }
0x66: {  	_ =	shalt  }
0x67: {  	_ =	shalt  }
0x68: {  	_ =	shalt  }
0x69: {  	_ =	shalt  }
0x6a: {  	_ =	shalt  }
0x6b: {  	_ =	shalt  }
0x6c: {  	_ =	shalt  }
0x6d: {  	_ =	shalt  }
0x6e: {  	_ =	shalt  }
0x6f: {  	_ =	shalt  }
0x70: {  	_ =	shalt  }
0x71: {  	_ =	shalt  }
0x72: {  	_ =	shalt  }
0x73: {  	_ =	shalt  }
0x74: {  	_ =	shalt  }
0x75: {  	_ =	shalt  }
0x76: {  	_ =	shalt  }
0x77: {  	_ =	shalt  }
0x78: {  	_ =	shalt  }
0x79: {  	_ =	shalt  }
0x7a: {  	_ =	shalt  }
0x7b: {  	_ =	shalt  }
0x7c: {  	_ =	shalt  }
0x7d: {  	_ =	shalt  }
0x7e: {  	_ =	shalt  }
0x7f: {  	_ =	shalt  }
0x80: {  	_ =	shalt  }
0x81: {  	_ =	shalt  }
0x82: {  	_ =	shalt  }
0x83: {  	_ =	shalt  }
0x84: {  	_ =	shalt  }
0x85: {  	_ =	shalt  }
0x86: {  	_ =	shalt  }
0x87: {  	_ =	shalt  }
.Lfunc_end0:
.L_simem_size_0:
called_computation_lowered:
.L_overlay_start_0:
0x88: {  	s2 =	sld [smem:$0x3FD9]  }
0x89: {  	s3 =	sld [smem:$0x3FFE];
	_ =	sdelay $0x1  }
0x8a: {  	s1 =	srdreg.scid  }
0x8b: {  	s0 =	sand.u32 $0x1, s1  }
0x8c: {  	s14 =	sshll.u32 s0, $0xA;
	s2 =	sadd.s32 s3, s2  }
0x8d: {  	s2 =	sadd.s32 s2, s14  }
0x8e: {  	[smem:$0x3FB1] =	sst s2  }
0x8f: {  	_ = 	snop  }
0x90: {  	s2 =	sld [smem:$0x3FD0];
	_ =	sdelay $0x2  }
0x91: {  	s4 =	simm.s32 $0xA;
	s5 =	simm.s32 $0x10;
	s15 =	sld [smem:$0x3FC7]  }
0x92: {  	[smem:s5], [sflag:s4] =	dma.local [hbm:s2], $0x1  }
0x93: {  	_ =	swait.eq [sflag:s4], $0x1  }
0x94: {  	s16 =	sld [smem:$0x10];
	[sflag:s4] =	ssyncset.done $0x0  }
0x95: {  	s17 =	sld [smem:$0x11];
	[sflag:s4] =	ssyncadd.s32 $0xFFFFFFFF  }
0x96: {  	s18 =	sld [smem:$0x12];
	(tm) =	ssettm $0x1  }
0x97: {  	s6 =	sld [smem:$0x3FFB];
	_ =	sdelay $0x3  }
0x98: {  	_ =	strace s6  }
0x99: {  	s6 =	sld [smem:$0x3FFC];
	_ =	sdelay $0x3  }
0x9a: {  	_ =	strace s6  }
0x9b: {  	s6 =	sld [smem:$0x3FFD];
	_ =	sdelay $0x3  }
0x9c: {  	_ =	strace s6  }
0x9d: {  	_ =	strace $0x8FFFFFFF  }
0x9e: {  	s19 =	sld [smem:$0x3FDB];
	_ =	sdelay $0x1  }
0x9f: {  	s7 =	simm.s32 $_scs_section_size  }
0xa0: {  	s8 =	simm.s32 $_size__tile_overlayer_lowered;
	s9 =	simm.s32 $_tile_overlayer_lowered  }
0xa1: {  	s22 =	simm.s32 $0x1BFF;
	s21 =	sshll.u32 s9, $0x1;
	s6 =	sadd.s32 s7, s19  }
0xa2: {  	s10 =	simm.s32 $0x0;
	s20 =	sshll.u32 s8, $0x1;
	s8 =	sadd.s32 s21, s6  }
0xa3: {  	[timem:s10], [sflag:s22] =	dma.local [hbm:s8], s20  }
0xa4: {  	_ =	swait.ge [sflag:s22], s20  }
0xa5: {  	s7 =	ssub.s32 $0x0, s20;
	[sflag:s22] =	ssyncset.done $0x0  }
0xa6: {  	[sflag:s22] =	ssyncadd.s32 s7;
	_ =	sdelay $0x1  }
0xa7: {  	s23 =	simm.s32 $0x1B8B  }
0xa8: {  	_ =	swait.ge [sflag:s23], $0x1  }
0xa9: {  	[sflag:s23] =	ssyncset.done $0x0  }
0xaa: {  	s25 =	simm.s32 $0x1B8E;
	s24 =	sld [smem:$0x3FFE];
	[sflag:s23] =	ssyncadd.s32 $0xFFFFFFFF  }
0xab: {  	s26 =	simm.s32 $execute0_lowered;
	[smem:$0x3FD2] =	sst s25  }
0xac: {  	s8 =	sshll.u32 s26, $0x1;
	_ =	strace $0x80000046;
	[dreg:$0x1] =	wrdreg $0xFFFFFFFF  }
0xad: {  	s28 =	simm.s32 $_size_execute0_lowered;
	s6 =	sadd.s32 s6, s8;
	[dreg:$0x0] =	wrdreg $0x0  }
0xae: {  	s8 =	sshll.u32 s28, $0x1;
	[dreg:$0x2] =	wrdreg s6  }
0xaf: {  	[dreg:$0x3] =	wrdreg s8  }
0xb0: {  	[dreg:$0x4] =	wrdreg $0xC0  }
0xb1: {  	_ =	task [dreg:s10], $0x5FFFF  }
0xb2: {  	[dreg:$0x1] =	wrdreg $0xFFFFFFFF  }
0xb3: {  	[dreg:$0x0] =	wrdreg $0x60  }
0xb4: {  	[dreg:$0x2] =	wrdreg s24  }
0xb5: {  	[dreg:$0x3] =	wrdreg s15  }
0xb6: {  	[dreg:$0x4] =	wrdreg s17  }
0xb7: {  	[dreg:$0x5] =	wrdreg s16  }
0xb8: {  	[dreg:$0x6] =	wrdreg s18  }
0xb9: {  	[dreg:$0x7] =	wrdreg $0x9  }
0xba: {  	_ =	task.clear_ibuf [dreg:s10], $0x8FFFF;
	_ =	strace $0x90000046  }
0xbb: {  	s29 =	simm.s32 $0x9;
	_ =	strace $0x80000048  }
0xbc: {  	_ =	swait.ge [sflag:s29], $0x1  }
0xbd: {  	[sflag:s29] =	ssyncadd.s32 $0xFFFFFFFF  }
0xbe: {  	_ =	strace $0x90000048  }
0xbf: {  	_ =	sfence  }
0xc0: {  	s30 =	sld [smem:$0x0];
	_ =	sdelay $0x2  }
0xc1: {  	s31 =	sshll.u32 s1, $0xD;
	s1 =	sshrl.u32 s1, $0x2  }
0xc2: {  	s3 =	sand.u32 $0x4000, s31;
	s1 =	sadd.s32 s1, s30  }
0xc3: {  	s0 =	sor.u32 s3, s0;
	s1 =	sshll.u32 s1, $0x11  }
0xc4: {  	s0 =	sor.u32 s1, s0  }
0xc5: {  	s0 =	sadd.s32 $0x8F2B, s0  }
0xc6: {  	[sflag:s0] =	ssyncadd.remote.s32 $0x1  }
0xc7: {  	_ =	sfence.sel $0xFFFF  }
0xc8: {  	[dreg:$0x0] =	wrdreg $0xFFFFFFFF;
	(pc) =	sbr.abs _section_cstart, $3  }
0xc9: {  	[dreg:$0x1] =	wrdreg $0xFFFFFFFF  }
0xca: {  	_ =	task.clear_ibuf [dreg:s10], $0x2FFFF;
	_ =	strace $0x9FFFFFFF  }
0xcb: {  	(tm) =	ssettm $0x7FFFFFFF  }
tec
execute0_lowered:
.L_overlay_start_1:
0x0: {  	(tag) =	ssettag $0x1  }
0x1: {  	s0 =	rddreg [dreg:$0x0]  }
0x2: {  	s1 =	rddreg [dreg:$0x1]  }
0x3: {  	s4 =	rddreg [dreg:$0x2]  }
0x4: {  	s3 =	srdreg.scid;
	s2 =	rddreg [dreg:$0x3]  }
0x5: {  	s6 =	stileid.u32;
	s8 =	rddreg [dreg:$0x4]  }
0x6: {  	s28 =	simm.s32 $0x20;
	s5 =	sand.u32 $0x1, s3;
	s15 =	sshll.u32 s6, $0x1  }
0x7: {  	s29 =	simm.s32 $0x117C0;
	s30 =	simm.s32 $0x118C0;
	s9 =	sor.u32 s5, s15  }
0x8: {  	s31 =	simm.s32 $0x80;
	s3 =	simm.s32 $0x0;
	s16 =	smul.u32 $0xD0, s9  }
0x9: {  	s17 =	sadd.s32 $0x35000, s0;
	s18 =	sadd.s32 $0x311800, s0;
	s7 =	smul.u32 $0xC4, s9  }
0xa: {  	s6 =	sadd.s32 $0x1504E00, s0;
	[smem:$0x7FF] =	sst s3;
	s14 =	smul.u32 $0x60, s9  }
0xb: {  	s5 =	ssub.s32 $0x2, s5;
	_ =	strace $0x80000047;
	s15 =	smul.u32 $0x1900, s9  }
0xc: {  	s10 =	sshll.u32 s9, $0x2;
	[dreg:$0x6] =	wrdreg s17;
	s19 =	smul.u32 $0x640, s9  }
0xd: {  	[dreg:$0x7] =	wrdreg s18;
	s26 =	smul.u32 $0xC40, s9;
	s9 =	simm.s32 $0x1  }
0xe: {  	s11 =	sadd.s32 s10, s0;
	s1 =	sadd.s32 s1, s10;
	s10 =	simm.s32 $0x18  }
0xf: {  	s12 =	sadd.s32 s16, s0;
	s13 =	sadd.s32 s7, s0;
	s7 =	sadd.s32 $0x3A00, s0  }
0x10: {  	s14 =	sadd.s32 s14, s0;
	s16 =	sshrl.u32 s5, $0x1;
	s0 =	sadd.s32 s15, s0  }
0x11: {  	s11 =	sadd.s32 $0x3C200, s11;
	[dreg:$0x9] =	wrdreg s1;
	s23 =	sadd.s32 s4, s19  }
0x12: {  	s1 =	simm.s32 $0x1380;
	s4 =	simm.s32 $0xAF80;
	s5 =	ssub.s32 s5, s16  }
0x13: {  	[dreg:$0x8] =	wrdreg s11;
	s20 =	sadd.s32 $0x37400, s12;
	s21 =	sadd.s32 $0x35A00, s12  }
0x14: {  	s22 =	sadd.s32 $0x38E00, s12;
	[dreg:$0xd] =	wrdreg s23;
	s24 =	sadd.s32 $0x3A800, s13  }
0x15: {  	s25 =	sadd.s32 $0x3C403, s0;
	s16 =	sadd.s32 $0x6E400, s14;
	[dreg:$0xa] =	wrdreg s20  }
0x16: {  	s17 =	sadd.s32 $0x6E401, s14;
	s18 =	sadd.s32 $0x3C400, s0;
	[dreg:$0xb] =	wrdreg s21  }
0x17: {  	s19 =	sadd.s32 $0x3C402, s0;
	s23 =	simm.s32 $0x2;
	[dreg:$0xc] =	wrdreg s22  }
0x18: {  	s0 =	simm.s32 $0x7B80;
	s11 =	simm.s32 $0x10;
	[dreg:$0xe] =	wrdreg s24  }
0x19: {  	s12 =	simm.s32 $0x0;
	[dreg:$0xf] =	wrdreg s25;
	s20 =	sadd.s32 s8, s26  }
0x1a: {  	s21 =	smax.u32 s5, $0x1;
	s24 =	simm.s32 $0x117A0;
	s25 =	simm.s32 $0x680  }
0x1b: {  	vm0 =	vcmask $0x3F3C;
	vm1 =	vmmov $0x7fff;
	s26 =	simm.s32 $0xD00;
	s5 =	simm.s32 $0x120E0;
	s8 =	simm.s32 $0x8  }
.LBB2_1:
0x1c: {  	s13 =	rddreg [dreg:$0x8];
	s14 =	simm.s32 $0x11780  }
0x1d: {  	[tilespmem:s14], [sflag:$0x2] =	stream.linear.gather [hbm4b:s13+s3], $0x20, $0x38;
	[tilespmem:$0x152E0] =	vst v63  }
0x1e: {  	_ =	swait.ge [sflag:s23], $0x20  }
0x1f: {  	[sflag:s23] =	ssyncset.done $0x0  }
0x20: {  	s15 =	rddreg [dreg:$0x9];
	[sflag:s23] =	ssyncadd.s32 $0xFFFFFFE0  }
0x21: {  	[tilespmem:s24], [sflag:$0x2] =	stream.linear.gather [hbm4b:s15+s3], $0x20, $0x38;
	[tilespmem:$0x152E0] =	vst v63  }
0x22: {  	_ =	swait.ge [sflag:s23], $0x20  }
0x23: {  	[sflag:s23] =	ssyncset.done $0x0  }
0x24: {  	s22 =	rddreg [dreg:$0xa];
	[sflag:s23] =	ssyncadd.s32 $0xFFFFFFE0  }
0x25: {  	[tilespmem:s3], [sflag:$0x2] =	stream.linear.gather [hbm4b:s22+s3], $0x680, $0x38;
	[tilespmem:$0x152E0] =	vst v63  }
0x26: {  	_ =	swait.ge [sflag:s23], $0x680  }
0x27: {  	[sflag:s23] =	ssyncset.done $0x0  }
0x28: {  	s15 =	rddreg [dreg:$0xb];
	[sflag:s23] =	ssyncadd.s32 $0xFFFFF980  }
0x29: {  	[tilespmem:s25], [sflag:$0x2] =	stream.linear.gather [hbm4b:s15+s3], $0x680, $0x38;
	[tilespmem:$0x152E0] =	vst v63  }
0x2a: {  	_ =	swait.ge [sflag:s23], $0x680  }
0x2b: {  	[sflag:s23] =	ssyncset.done $0x0  }
0x2c: {  	s22 =	rddreg [dreg:$0xc];
	[sflag:s23] =	ssyncadd.s32 $0xFFFFF980  }
0x2d: {  	[tilespmem:s26], [sflag:$0x2] =	stream.linear.gather [hbm4b:s22+s3], $0x680, $0x38;
	[tilespmem:$0x152E0] =	vst v63  }
0x2e: {  	_ =	swait.ge [sflag:s23], $0x680  }
0x2f: {  	[sflag:s23] =	ssyncset.done $0x0  }
0x30: {  	s15 =	rddreg [dreg:$0x6];
	[sflag:s23] =	ssyncadd.s32 $0xFFFFF980  }
0x31: {  	[tilespmem:s29], [sflag:$0x1] =	stream.indirect.gather [hbm4b:s15+s28], $0x8, s14, s28, $0xb8;
	[tilespmem:$0x152E0] =	vst v63  }
0x32: {  	s22 =	rddreg [dreg:$0x7]  }
0x33: {  	[tilespmem:s30], [sflag:$0x1] =	stream.indirect.gather [hbm4b:s22+s28], $0x10, s24, s28, $0xb8;
	[tilespmem:$0x152E0] =	vst v63  }
0x34: {  	_ = 	snop  }
0x35: {  	[tilespmem:s1], [sflag:$0x1] =	stream.indirect.gather [hbm4b:s6+s31], $0x10, s3, s31, $0xb8;
	[tilespmem:$0x152E0] =	vst v63  }
0x36: {  	_ = 	snop  }
0x37: {  	[tilespmem:s0], [sflag:$0x1] =	stream.indirect.gather [hbm4b:s2+s31], $0x8, s25, s31, $0xb8;
	[tilespmem:$0x152E0] =	vst v63  }
0x38: {  	s14 =	simm.s32 $0x1B80  }
0x39: {  	[tilespmem:s14], [sflag:$0x1] =	stream.indirect.gather [hbm4b:s6+s31], $0x10, s31, s31, $0xb8;
	[tilespmem:$0x152E0] =	vst v63  }
0x3a: {  	s15 =	simm.s32 $0x700;
	s22 =	simm.s32 $0x7F80  }
0x3b: {  	[tilespmem:s22], [sflag:$0x1] =	stream.indirect.gather [hbm4b:s2+s31], $0x8, s15, s31, $0xb8;
	[tilespmem:$0x152E0] =	vst v63  }
0x3c: {  	s15 =	simm.s32 $0x100;
	s22 =	simm.s32 $0x2380  }
0x3d: {  	[tilespmem:s22], [sflag:$0x1] =	stream.indirect.gather [hbm4b:s6+s31], $0x10, s15, s31, $0xb8;
	[tilespmem:$0x152E0] =	vst v63  }
0x3e: {  	s15 =	simm.s32 $0x780;
	s22 =	simm.s32 $0x8380  }
0x3f: {  	[tilespmem:s22], [sflag:$0x1] =	stream.indirect.gather [hbm4b:s2+s31], $0x8, s15, s31, $0xb8;
	[tilespmem:$0x152E0] =	vst v63  }
0x40: {  	s15 =	simm.s32 $0x180;
	s22 =	simm.s32 $0x2B80  }
0x41: {  	[tilespmem:s22], [sflag:$0x1] =	stream.indirect.gather [hbm4b:s6+s31], $0x10, s15, s31, $0xb8;
	[tilespmem:$0x152E0] =	vst v63  }
0x42: {  	s15 =	simm.s32 $0x800;
	s22 =	simm.s32 $0x8780  }
0x43: {  	[tilespmem:s22], [sflag:$0x1] =	stream.indirect.gather [hbm4b:s2+s31], $0x8, s15, s31, $0xb8;
	[tilespmem:$0x152E0] =	vst v63  }
0x44: {  	s15 =	simm.s32 $0x200;
	s22 =	simm.s32 $0x3380  }
0x45: {  	[tilespmem:s22], [sflag:$0x1] =	stream.indirect.gather [hbm4b:s6+s31], $0x10, s15, s31, $0xb8;
	[tilespmem:$0x152E0] =	vst v63  }
0x46: {  	s15 =	simm.s32 $0x880;
	s22 =	simm.s32 $0x8B80  }
0x47: {  	[tilespmem:s22], [sflag:$0x1] =	stream.indirect.gather [hbm4b:s2+s31], $0x8, s15, s31, $0xb8;
	[tilespmem:$0x152E0] =	vst v63  }
0x48: {  	s15 =	simm.s32 $0x280;
	s22 =	simm.s32 $0x3B80  }
0x49: {  	[tilespmem:s22], [sflag:$0x1] =	stream.indirect.gather [hbm4b:s6+s31], $0x10, s15, s31, $0xb8;
	[tilespmem:$0x152E0] =	vst v63  }
0x4a: {  	s15 =	simm.s32 $0x900;
	s22 =	simm.s32 $0x8F80  }
0x4b: {  	[tilespmem:s22], [sflag:$0x1] =	stream.indirect.gather [hbm4b:s2+s31], $0x8, s15, s31, $0xb8;
	[tilespmem:$0x152E0] =	vst v63  }
0x4c: {  	s15 =	simm.s32 $0x300;
	s22 =	simm.s32 $0x4380  }
0x4d: {  	[tilespmem:s22], [sflag:$0x1] =	stream.indirect.gather [hbm4b:s6+s31], $0x10, s15, s31, $0xb8;
	[tilespmem:$0x152E0] =	vst v63  }
0x4e: {  	s15 =	simm.s32 $0x980;
	s22 =	simm.s32 $0x9380  }
0x4f: {  	[tilespmem:s22], [sflag:$0x1] =	stream.indirect.gather [hbm4b:s2+s31], $0x8, s15, s31, $0xb8;
	[tilespmem:$0x152E0] =	vst v63  }
0x50: {  	s15 =	simm.s32 $0x380;
	s22 =	simm.s32 $0x4B80  }
0x51: {  	[tilespmem:s22], [sflag:$0x1] =	stream.indirect.gather [hbm4b:s6+s31], $0x10, s15, s31, $0xb8;
	[tilespmem:$0x152E0] =	vst v63  }
0x52: {  	s15 =	simm.s32 $0xA00;
	s22 =	simm.s32 $0x9780  }
0x53: {  	[tilespmem:s22], [sflag:$0x1] =	stream.indirect.gather [hbm4b:s2+s31], $0x8, s15, s31, $0xb8;
	[tilespmem:$0x152E0] =	vst v63  }
0x54: {  	s15 =	simm.s32 $0x400;
	s22 =	simm.s32 $0x5380  }
0x55: {  	[tilespmem:s22], [sflag:$0x1] =	stream.indirect.gather [hbm4b:s6+s31], $0x10, s15, s31, $0xb8;
	[tilespmem:$0x152E0] =	vst v63  }
0x56: {  	s15 =	simm.s32 $0xA80;
	s22 =	simm.s32 $0x9B80  }
0x57: {  	[tilespmem:s22], [sflag:$0x1] =	stream.indirect.gather [hbm4b:s2+s31], $0x8, s15, s31, $0xb8;
	[tilespmem:$0x152E0] =	vst v63  }
0x58: {  	s15 =	simm.s32 $0x480;
	s22 =	simm.s32 $0x5B80  }
0x59: {  	[tilespmem:s22], [sflag:$0x1] =	stream.indirect.gather [hbm4b:s6+s31], $0x10, s15, s31, $0xb8;
	[tilespmem:$0x152E0] =	vst v63  }
0x5a: {  	s15 =	simm.s32 $0xB00;
	s22 =	simm.s32 $0x9F80  }
0x5b: {  	[tilespmem:s22], [sflag:$0x1] =	stream.indirect.gather [hbm4b:s2+s31], $0x8, s15, s31, $0xb8;
	[tilespmem:$0x152E0] =	vst v63  }
0x5c: {  	s15 =	simm.s32 $0x500;
	s22 =	simm.s32 $0x6380  }
0x5d: {  	[tilespmem:s22], [sflag:$0x1] =	stream.indirect.gather [hbm4b:s6+s31], $0x10, s15, s31, $0xb8;
	[tilespmem:$0x152E0] =	vst v63  }
0x5e: {  	s15 =	simm.s32 $0xB80;
	s22 =	simm.s32 $0xA380  }
0x5f: {  	[tilespmem:s22], [sflag:$0x1] =	stream.indirect.gather [hbm4b:s2+s31], $0x8, s15, s31, $0xb8;
	[tilespmem:$0x152E0] =	vst v63  }
0x60: {  	s15 =	simm.s32 $0x580;
	s22 =	simm.s32 $0x6B80  }
0x61: {  	[tilespmem:s22], [sflag:$0x1] =	stream.indirect.gather [hbm4b:s6+s31], $0x10, s15, s31, $0xb8;
	[tilespmem:$0x152E0] =	vst v63  }
0x62: {  	s15 =	simm.s32 $0xC00;
	s22 =	simm.s32 $0xA780  }
0x63: {  	[tilespmem:s22], [sflag:$0x1] =	stream.indirect.gather [hbm4b:s2+s31], $0x8, s15, s31, $0xb8;
	[tilespmem:$0x152E0] =	vst v63  }
0x64: {  	s15 =	simm.s32 $0x600;
	s22 =	simm.s32 $0x7380  }
0x65: {  	[tilespmem:s22], [sflag:$0x1] =	stream.indirect.gather [hbm4b:s6+s31], $0x10, s15, s31, $0xb8;
	[tilespmem:$0x152E0] =	vst v63  }
0x66: {  	s15 =	simm.s32 $0xC80;
	s22 =	simm.s32 $0xAB80  }
0x67: {  	[tilespmem:s22], [sflag:$0x1] =	stream.indirect.gather [hbm4b:s2+s31], $0x8, s15, s31, $0xb8;
	[tilespmem:$0x152E0] =	vst v63  }
0x68: {  	_ = 	snop  }
0x69: {  	[tilespmem:s4], [sflag:$0x1] =	stream.indirect.gather [hbm4b:s7+s31], $0x10, s26, s31, $0xb8;
	[tilespmem:$0x152E0] =	vst v63  }
0x6a: {  	s15 =	simm.s32 $0xD80;
	s22 =	simm.s32 $0xB780  }
0x6b: {  	[tilespmem:s22], [sflag:$0x1] =	stream.indirect.gather [hbm4b:s7+s31], $0x10, s15, s31, $0xb8;
	[tilespmem:$0x152E0] =	vst v63  }
0x6c: {  	s15 =	simm.s32 $0xE00;
	s22 =	simm.s32 $0xBF80  }
0x6d: {  	[tilespmem:s22], [sflag:$0x1] =	stream.indirect.gather [hbm4b:s7+s31], $0x10, s15, s31, $0xb8;
	[tilespmem:$0x152E0] =	vst v63  }
0x6e: {  	s15 =	simm.s32 $0xE80;
	s22 =	simm.s32 $0xC780  }
0x6f: {  	[tilespmem:s22], [sflag:$0x1] =	stream.indirect.gather [hbm4b:s7+s31], $0x10, s15, s31, $0xb8;
	[tilespmem:$0x152E0] =	vst v63  }
0x70: {  	s15 =	simm.s32 $0xF00;
	s22 =	simm.s32 $0xCF80  }
0x71: {  	[tilespmem:s22], [sflag:$0x1] =	stream.indirect.gather [hbm4b:s7+s31], $0x10, s15, s31, $0xb8;
	[tilespmem:$0x152E0] =	vst v63  }
0x72: {  	s15 =	simm.s32 $0xF80;
	s22 =	simm.s32 $0xD780  }
0x73: {  	[tilespmem:s22], [sflag:$0x1] =	stream.indirect.gather [hbm4b:s7+s31], $0x10, s15, s31, $0xb8;
	[tilespmem:$0x152E0] =	vst v63  }
0x74: {  	s15 =	simm.s32 $0x1000;
	s22 =	simm.s32 $0xDF80  }
0x75: {  	[tilespmem:s22], [sflag:$0x1] =	stream.indirect.gather [hbm4b:s7+s31], $0x10, s15, s31, $0xb8;
	[tilespmem:$0x152E0] =	vst v63  }
0x76: {  	s15 =	simm.s32 $0x1080;
	s22 =	simm.s32 $0xE780  }
0x77: {  	[tilespmem:s22], [sflag:$0x1] =	stream.indirect.gather [hbm4b:s7+s31], $0x10, s15, s31, $0xb8;
	[tilespmem:$0x152E0] =	vst v63  }
0x78: {  	s15 =	simm.s32 $0x1100;
	s22 =	simm.s32 $0xEF80  }
0x79: {  	[tilespmem:s22], [sflag:$0x1] =	stream.indirect.gather [hbm4b:s7+s31], $0x10, s15, s31, $0xb8;
	[tilespmem:$0x152E0] =	vst v63  }
0x7a: {  	s15 =	simm.s32 $0x1180;
	s22 =	simm.s32 $0xF780  }
0x7b: {  	[tilespmem:s22], [sflag:$0x1] =	stream.indirect.gather [hbm4b:s7+s31], $0x10, s15, s31, $0xb8;
	[tilespmem:$0x152E0] =	vst v63  }
0x7c: {  	s15 =	simm.s32 $0x1200;
	s22 =	simm.s32 $0xFF80  }
0x7d: {  	[tilespmem:s22], [sflag:$0x1] =	stream.indirect.gather [hbm4b:s7+s31], $0x10, s15, s31, $0xb8;
	[tilespmem:$0x152E0] =	vst v63  }
0x7e: {  	s15 =	simm.s32 $0x1280;
	s22 =	simm.s32 $0x10780  }
0x7f: {  	[tilespmem:s22], [sflag:$0x1] =	stream.indirect.gather [hbm4b:s7+s31], $0x10, s15, s31, $0xb8;
	[tilespmem:$0x152E0] =	vst v63  }
0x80: {  	s15 =	simm.s32 $0x1300;
	s22 =	simm.s32 $0x10F80  }
0x81: {  	[tilespmem:s22], [sflag:$0x1] =	stream.indirect.gather [hbm4b:s7+s31], $0x10, s15, s31, $0xb8;
	[tilespmem:$0x152E0] =	vst v63  }
0x82: {  	s14 =	rddreg [dreg:$0xd]  }
0x83: {  	[tilespmem:s5], [sflag:$0x2] =	stream.linear.gather [hbm4b:s14+s3], $0x3200, $0x38;
	[tilespmem:$0x152E0] =	vst v63  }
0x84: {  	_ =	swait.ge [sflag:s23], $0x3200  }
0x85: {  	[sflag:s23] =	ssyncset.done $0x0  }
0x86: {  	s22 =	simm.s32 $0x11AC0;
	s15 =	rddreg [dreg:$0xe];
	[sflag:s23] =	ssyncadd.s32 $0xFFFFCE00  }
0x87: {  	[tilespmem:s22], [sflag:$0x2] =	stream.linear.gather [hbm4b:s15+s3], $0x620, $0x38;
	[tilespmem:$0x152E0] =	vst v63  }
0x88: {  	_ =	swait.ge [sflag:s23], $0x620  }
0x89: {  	[sflag:s23] =	ssyncset.done $0x0  }
0x8a: {  	s15 =	rddreg [dreg:$0xf];
	[sflag:s23] =	ssyncadd.s32 $0xFFFFF9E0  }
0x8b: {  	[hbm4b:s15+s8] =	stream.strided.scatter [tilespmem:s5], [sflag:$0x2], $0x3200, s28, s8, $0x38;
	[tilespmem:$0x152E0] =	vst v63  }
0x8c: {  	_ =	swait.ge [sflag:s23], $0x3200  }
0x8d: {  	[sflag:s23] =	ssyncset.done $0x0  }
0x8e: {  	[sflag:s23] =	ssyncadd.s32 $0xFFFFCE00  }
0x8f: {  	_ =	swait.ge [sflag:s9], $0x100  }
0x90: {  	[sflag:s9] =	ssyncset.done $0x0  }
0x91: {  	[sflag:s9] =	ssyncadd.s32 $0xFFFFFF00  }
0x92: {  	[hbm4b:s16+s8] =	stream.strided.scatter [tilespmem:s29], [sflag:$0x2], $0x100, s10, s8, $0x38;
	[tilespmem:$0x152E0] =	vst v63  }
0x93: {  	_ =	swait.ge [sflag:s23], $0x100  }
0x94: {  	[sflag:s23] =	ssyncset.done $0x0  }
0x95: {  	[sflag:s23] =	ssyncadd.s32 $0xFFFFFF00  }
0x96: {  	_ =	swait.ge [sflag:s9], $0x200  }
0x97: {  	[sflag:s9] =	ssyncset.done $0x0  }
0x98: {  	[sflag:s9] =	ssyncadd.s32 $0xFFFFFE00  }
0x99: {  	[hbm4b:s17+s11] =	stream.strided.scatter [tilespmem:s30], [sflag:$0x2], $0x200, s10, s11, $0x38;
	[tilespmem:$0x152E0] =	vst v63  }
0x9a: {  	_ =	swait.ge [sflag:s23], $0x200  }
0x9b: {  	[sflag:s23] =	ssyncset.done $0x0  }
0x9c: {  	[sflag:s23] =	ssyncadd.s32 $0xFFFFFE00  }
0x9d: {  	_ =	swait.ge [sflag:s9], $0x800  }
0x9e: {  	[sflag:s9] =	ssyncset.done $0x0  }
0x9f: {  	[sflag:s9] =	ssyncadd.s32 $0xFFFFF800  }
0xa0: {  	_ =	swait.ge [sflag:s9], $0x800  }
0xa1: {  	[sflag:s9] =	ssyncset.done $0x0  }
0xa2: {  	[sflag:s9] =	ssyncadd.s32 $0xFFFFF800  }
0xa3: {  	_ =	swait.ge [sflag:s9], $0x800  }
0xa4: {  	[sflag:s9] =	ssyncset.done $0x0  }
0xa5: {  	[sflag:s9] =	ssyncadd.s32 $0xFFFFF800  }
0xa6: {  	_ =	swait.ge [sflag:s9], $0x800  }
0xa7: {  	[sflag:s9] =	ssyncset.done $0x0  }
0xa8: {  	[sflag:s9] =	ssyncadd.s32 $0xFFFFF800  }
0xa9: {  	_ =	swait.ge [sflag:s9], $0x800  }
0xaa: {  	[sflag:s9] =	ssyncset.done $0x0  }
0xab: {  	[sflag:s9] =	ssyncadd.s32 $0xFFFFF800  }
0xac: {  	_ =	swait.ge [sflag:s9], $0x800  }
0xad: {  	[sflag:s9] =	ssyncset.done $0x0  }
0xae: {  	[sflag:s9] =	ssyncadd.s32 $0xFFFFF800  }
0xaf: {  	_ =	swait.ge [sflag:s9], $0x800  }
0xb0: {  	[sflag:s9] =	ssyncset.done $0x0  }
0xb1: {  	[sflag:s9] =	ssyncadd.s32 $0xFFFFF800  }
0xb2: {  	_ =	swait.ge [sflag:s9], $0x800  }
0xb3: {  	[sflag:s9] =	ssyncset.done $0x0  }
0xb4: {  	[sflag:s9] =	ssyncadd.s32 $0xFFFFF800  }
0xb5: {  	_ =	swait.ge [sflag:s9], $0x800  }
0xb6: {  	[sflag:s9] =	ssyncset.done $0x0  }
0xb7: {  	[sflag:s9] =	ssyncadd.s32 $0xFFFFF800  }
0xb8: {  	_ =	swait.ge [sflag:s9], $0x800  }
0xb9: {  	[sflag:s9] =	ssyncset.done $0x0  }
0xba: {  	[sflag:s9] =	ssyncadd.s32 $0xFFFFF800  }
0xbb: {  	_ =	swait.ge [sflag:s9], $0x800  }
0xbc: {  	[sflag:s9] =	ssyncset.done $0x0  }
0xbd: {  	[sflag:s9] =	ssyncadd.s32 $0xFFFFF800  }
0xbe: {  	_ =	swait.ge [sflag:s9], $0x800  }
0xbf: {  	[sflag:s9] =	ssyncset.done $0x0  }
0xc0: {  	[sflag:s9] =	ssyncadd.s32 $0xFFFFF800  }
0xc1: {  	_ =	swait.ge [sflag:s9], $0x800  }
0xc2: {  	[sflag:s9] =	ssyncset.done $0x0  }
0xc3: {  	[sflag:s9] =	ssyncadd.s32 $0xFFFFF800  }
0xc4: {  	[hbm4b:s18+s11] =	stream.strided.scatter [tilespmem:s1], [sflag:$0x2], $0x6400, s28, s11, $0x38;
	[tilespmem:$0x152E0] =	vst v63  }
0xc5: {  	_ =	swait.ge [sflag:s23], $0x6400  }
0xc6: {  	[sflag:s23] =	ssyncset.done $0x0  }
0xc7: {  	[sflag:s23] =	ssyncadd.s32 $0xFFFF9C00  }
0xc8: {  	_ =	swait.ge [sflag:s9], $0x400  }
0xc9: {  	[sflag:s9] =	ssyncset.done $0x0  }
0xca: {  	[sflag:s9] =	ssyncadd.s32 $0xFFFFFC00  }
0xcb: {  	_ =	swait.ge [sflag:s9], $0x400  }
0xcc: {  	[sflag:s9] =	ssyncset.done $0x0  }
0xcd: {  	[sflag:s9] =	ssyncadd.s32 $0xFFFFFC00  }
0xce: {  	_ =	swait.ge [sflag:s9], $0x400  }
0xcf: {  	[sflag:s9] =	ssyncset.done $0x0  }
0xd0: {  	[sflag:s9] =	ssyncadd.s32 $0xFFFFFC00  }
0xd1: {  	_ =	swait.ge [sflag:s9], $0x400  }
0xd2: {  	[sflag:s9] =	ssyncset.done $0x0  }
0xd3: {  	[sflag:s9] =	ssyncadd.s32 $0xFFFFFC00  }
0xd4: {  	_ =	swait.ge [sflag:s9], $0x400  }
0xd5: {  	[sflag:s9] =	ssyncset.done $0x0  }
0xd6: {  	[sflag:s9] =	ssyncadd.s32 $0xFFFFFC00  }
0xd7: {  	_ =	swait.ge [sflag:s9], $0x400  }
0xd8: {  	[sflag:s9] =	ssyncset.done $0x0  }
0xd9: {  	[sflag:s9] =	ssyncadd.s32 $0xFFFFFC00  }
0xda: {  	_ =	swait.ge [sflag:s9], $0x400  }
0xdb: {  	[sflag:s9] =	ssyncset.done $0x0  }
0xdc: {  	[sflag:s9] =	ssyncadd.s32 $0xFFFFFC00  }
0xdd: {  	_ =	swait.ge [sflag:s9], $0x400  }
0xde: {  	[sflag:s9] =	ssyncset.done $0x0  }
0xdf: {  	[sflag:s9] =	ssyncadd.s32 $0xFFFFFC00  }
0xe0: {  	_ =	swait.ge [sflag:s9], $0x400  }
0xe1: {  	[sflag:s9] =	ssyncset.done $0x0  }
0xe2: {  	[sflag:s9] =	ssyncadd.s32 $0xFFFFFC00  }
0xe3: {  	_ =	swait.ge [sflag:s9], $0x400  }
0xe4: {  	[sflag:s9] =	ssyncset.done $0x0  }
0xe5: {  	[sflag:s9] =	ssyncadd.s32 $0xFFFFFC00  }
0xe6: {  	_ =	swait.ge [sflag:s9], $0x400  }
0xe7: {  	[sflag:s9] =	ssyncset.done $0x0  }
0xe8: {  	[sflag:s9] =	ssyncadd.s32 $0xFFFFFC00  }
0xe9: {  	_ =	swait.ge [sflag:s9], $0x400  }
0xea: {  	[sflag:s9] =	ssyncset.done $0x0  }
0xeb: {  	[sflag:s9] =	ssyncadd.s32 $0xFFFFFC00  }
0xec: {  	_ =	swait.ge [sflag:s9], $0x400  }
0xed: {  	[sflag:s9] =	ssyncset.done $0x0  }
0xee: {  	[sflag:s9] =	ssyncadd.s32 $0xFFFFFC00  }
0xef: {  	[hbm4b:s19+s8] =	stream.strided.scatter [tilespmem:s0], [sflag:$0x2], $0x3200, s28, s8, $0x38;
	[tilespmem:$0x152E0] =	vst v63  }
0xf0: {  	_ =	swait.ge [sflag:s23], $0x3200  }
0xf1: {  	[sflag:s23] =	ssyncset.done $0x0  }
0xf2: {  	[sflag:s23] =	ssyncadd.s32 $0xFFFFCE00  }
0xf3: {  	_ =	swait.ge [sflag:s9], $0x800  }
0xf4: {  	[sflag:s9] =	ssyncset.done $0x0  }
0xf5: {  	[sflag:s9] =	ssyncadd.s32 $0xFFFFF800  }
0xf6: {  	_ =	swait.ge [sflag:s9], $0x800  }
0xf7: {  	[sflag:s9] =	ssyncset.done $0x0  }
0xf8: {  	[sflag:s9] =	ssyncadd.s32 $0xFFFFF800  }
0xf9: {  	_ =	swait.ge [sflag:s9], $0x800  }
0xfa: {  	[sflag:s9] =	ssyncset.done $0x0  }
0xfb: {  	[sflag:s9] =	ssyncadd.s32 $0xFFFFF800  }
0xfc: {  	_ =	swait.ge [sflag:s9], $0x800  }
0xfd: {  	[sflag:s9] =	ssyncset.done $0x0  }
0xfe: {  	[sflag:s9] =	ssyncadd.s32 $0xFFFFF800  }
0xff: {  	_ =	swait.ge [sflag:s9], $0x800  }
0x100: {  	[sflag:s9] =	ssyncset.done $0x0  }
0x101: {  	[sflag:s9] =	ssyncadd.s32 $0xFFFFF800  }
0x102: {  	_ =	swait.ge [sflag:s9], $0x800  }
0x103: {  	[sflag:s9] =	ssyncset.done $0x0  }
0x104: {  	[sflag:s9] =	ssyncadd.s32 $0xFFFFF800  }
0x105: {  	_ =	swait.ge [sflag:s9], $0x800  }
0x106: {  	[sflag:s9] =	ssyncset.done $0x0  }
0x107: {  	[sflag:s9] =	ssyncadd.s32 $0xFFFFF800  }
0x108: {  	_ =	swait.ge [sflag:s9], $0x800  }
0x109: {  	[sflag:s9] =	ssyncset.done $0x0  }
0x10a: {  	[sflag:s9] =	ssyncadd.s32 $0xFFFFF800  }
0x10b: {  	_ =	swait.ge [sflag:s9], $0x800  }
0x10c: {  	[sflag:s9] =	ssyncset.done $0x0  }
0x10d: {  	[sflag:s9] =	ssyncadd.s32 $0xFFFFF800  }
0x10e: {  	_ =	swait.ge [sflag:s9], $0x800  }
0x10f: {  	[sflag:s9] =	ssyncset.done $0x0  }
0x110: {  	[sflag:s9] =	ssyncadd.s32 $0xFFFFF800  }
0x111: {  	_ =	swait.ge [sflag:s9], $0x800  }
0x112: {  	[sflag:s9] =	ssyncset.done $0x0  }
0x113: {  	[sflag:s9] =	ssyncadd.s32 $0xFFFFF800  }
0x114: {  	_ =	swait.ge [sflag:s9], $0x800  }
0x115: {  	[sflag:s9] =	ssyncset.done $0x0  }
0x116: {  	[sflag:s9] =	ssyncadd.s32 $0xFFFFF800  }
0x117: {  	_ =	swait.ge [sflag:s9], $0x800  }
0x118: {  	[sflag:s9] =	ssyncset.done $0x0  }
0x119: {  	s13 =	simm.s32 $0xB000;
	[sflag:s9] =	ssyncadd.s32 $0xFFFFF800  }
0x11a: {  	v0 =	vld [tilespmem:s13+$0xFFFFFFF0]  }
0x11b: {  	v1 =	vld [tilespmem:s13+$0x10]  }
0x11c: {  	v5 =	vld [tilespmem:s13+$0xFFFFFF80]  }
0x11d: {  	v4 =	vld [tilespmem:s13+$0x20]  }
0x11e: {  	v2 =	vld [tilespmem:s13+$0xFFFFFFC0]  }
0x11f: {  	s22 =	simm.s32 $0x0;
	v6 =	vld [tilespmem:s13+$0x70]  }
0x120: {  	v3 =	vld [tilespmem:s22+$0x11AC0]  }
0x121: {  	v9 =	vld [tilespmem:s13+$0x40]  }
0x122: {  	v14 =	vld [tilespmem:s13+$0x60]  }
0x123: {  	v10 =	vld [tilespmem:s13+$0xFFFFFFA0]  }
0x124: {  	v7 =	vld [tilespmem:s13+$0x50]  }
0x125: {  	v8 =	vld [tilespmem:s13+$0x30];
	v11 =	vbroadcast v3, $0x0;
	v16 =	vbroadcast v3, $0xE  }
0x126: {  	v15 =	vsel vm1, v6, v3;
	v6 =	vld [tilespmem:s13+$0xFFFFFF90];
	v12 =	vbroadcast v3, $0x2;
	v13 =	vbroadcast v3, $0xC  }
0x127: {  	s14 =	simm.s32 $0x40;
	s15 =	simm.s32 $0xB000;
	[tilespmem:s13+$0x70] =	vst v15;
	v15 =	vsel vm0, v11, v5;
	v5 =	vld [tilespmem:s13+$0xFFFFFFB0];
	v11 =	vbroadcast v3, $0xD;
	v14 =	vsel vm0, v16, v14  }
.LBB2_2:
0x128: {  	p0 =	sne.s32 s14, $0x1840  }
0x129: {  	[tilespmem:s13+$0xFFFFFF80] =	vst v15;
	v10 =	vsel vm0, v12, v10;
	v12 =	vld [tilespmem:s13+$0xFFFFFFE0];
	v15 =	vbroadcast v3, $0xB;
	v9 =	vsel vm0, v13, v9;
	s15 =	sadd.s32 $0x100, s15;
	s22 =	smov.u32 s14;
	s14 =	sadd.s32 $0x40, s14  }
0x12a: {  	v13 =	vbroadcast v3, $0x1;
	v17 =	vbroadcast v3, $0xA;
	v16 =	vld [tilespmem:s13+$0x0];
	v7 =	vsel vm0, v11, v7;
	[tilespmem:s13+$0x60] =	vst v14  }
0x12b: {  	v18 =	vbroadcast v3, $0x9;
	v11 =	vbroadcast v3, $0x3;
	v14 =	vld [tilespmem:s13+$0xFFFFFFD0];
	v8 =	vsel vm0, v15, v8;
	[tilespmem:s13+$0x40] =	vst v9  }
0x12c: {  	v9 =	vbroadcast v3, $0x4;
	v6 =	vsel vm0, v13, v6;
	[tilespmem:s13+$0xFFFFFFA0] =	vst v10;
	v10 =	vbroadcast v3, $0x8  }
0x12d: {  	v4 =	vsel vm0, v17, v4;
	v5 =	vsel vm0, v11, v5;
	v11 =	vbroadcast v3, $0x6;
	[tilespmem:s13+$0x30] =	vst v8  }
0x12e: {  	v2 =	vsel vm0, v9, v2;
	v8 =	vbroadcast v3, $0x5;
	v3 =	vbroadcast v3, $0x7;
	[tilespmem:s13+$0x50] =	vst v7  }
0x12f: {  	v1 =	vsel vm0, v18, v1;
	v7 =	vsel vm0, v10, v16;
	[tilespmem:s13+$0x20] =	vst v4  }
0x130: {  	v4 =	vsel vm0, v11, v12;
	v0 =	vsel vm0, v3, v0;
	v8 =	vsel vm0, v8, v14;
	[tilespmem:s13+$0x10] =	vst v1  }
0x131: {  	[tilespmem:s13+$0xFFFFFFF0] =	vst v0  }
0x132: {  	v0 =	vld [tilespmem:s15+$0xFFFFFFF0];
	[tilespmem:s13+$0xFFFFFFE0] =	vst v4  }
0x133: {  	v1 =	vld [tilespmem:s15+$0x10];
	[tilespmem:s13+$0xFFFFFF90] =	vst v6  }
0x134: {  	v11 =	vld [tilespmem:s15+$0xFFFFFF80];
	[tilespmem:s13+$0x0] =	vst v7  }
0x135: {  	v4 =	vld [tilespmem:s15+$0x20];
	[tilespmem:s13+$0xFFFFFFC0] =	vst v2  }
0x136: {  	v2 =	vld [tilespmem:s15+$0xFFFFFFC0];
	[tilespmem:s13+$0xFFFFFFD0] =	vst v8  }
0x137: {  	s22 =	sshra.s32 s22, $0x2;
	v6 =	vld [tilespmem:s15+$0x70];
	[tilespmem:s13+$0xFFFFFFB0] =	vst v5;
	s13 =	smov.u32 s15  }
0x138: {  	v3 =	vld [tilespmem:s22+$0x11AC0]  }
0x139: {  	v9 =	vld [tilespmem:s15+$0x40]  }
0x13a: {  	v14 =	vld [tilespmem:s15+$0x60]  }
.Ltmp0:
0x13b: {  	v10 =	vld [tilespmem:s15+$0xFFFFFFA0];
	(pc) =	sbr.rel @p0 .LBB2_2-.Ltmp0, $4  }
0x13c: {  	v7 =	vld [tilespmem:s15+$0x50]  }
0x13d: {  	v5 =	vbroadcast v3, $0x0;
	v8 =	vld [tilespmem:s15+$0x30];
	v16 =	vbroadcast v3, $0xE;
	v15 =	vsel vm1, v6, v3  }
0x13e: {  	v12 =	vbroadcast v3, $0x2;
	v13 =	vbroadcast v3, $0xC;
	v6 =	vld [tilespmem:s15+$0xFFFFFF90];
	[tilespmem:s15+$0x70] =	vst v15  }
0x13f: {  	v15 =	vsel vm0, v5, v11;
	v5 =	vld [tilespmem:s15+$0xFFFFFFB0];
	v11 =	vbroadcast v3, $0xD;
	v14 =	vsel vm0, v16, v14  }
0x140: {  	[tilespmem:s13+$0xFFFFFF80] =	vst v15  }
0x141: {  	v9 =	vsel vm0, v13, v9;
	[tilespmem:s13+$0x60] =	vst v14  }
0x142: {  	v16 =	vbroadcast v3, $0xB;
	v10 =	vsel vm0, v12, v10;
	[tilespmem:s13+$0x40] =	vst v9  }
0x143: {  	v53 =	vbroadcast v3, $0xA;
	[tilespmem:s13+$0xFFFFFFA0] =	vst v10;
	v7 =	vsel vm0, v11, v7  }
0x144: {  	v54 =	vbroadcast v3, $0x9;
	v8 =	vsel vm0, v16, v8;
	[tilespmem:s13+$0x50] =	vst v7  }
0x145: {  	v55 =	vbroadcast v3, $0x7;
	v4 =	vsel vm0, v53, v4;
	[tilespmem:s13+$0x30] =	vst v8  }
0x146: {  	v50 =	vld [tilespmem:s13+$0xFFFFFFE0];
	v60 =	vbroadcast v3, $0x4;
	v1 =	vsel vm0, v54, v1;
	[tilespmem:s13+$0x20] =	vst v4  }
0x147: {  	v52 =	vld [tilespmem:s13+$0x0];
	v57 =	vbroadcast v3, $0x1;
	v0 =	vsel vm0, v55, v0;
	[tilespmem:s13+$0x10] =	vst v1  }
0x148: {  	v51 =	vld [tilespmem:s13+$0xFFFFFFD0];
	v62 =	vbroadcast v3, $0x3;
	v2 =	vsel vm0, v60, v2;
	[tilespmem:s13+$0xFFFFFFF0] =	vst v0  }
0x149: {  	v56 =	vbroadcast v3, $0x6;
	v59 =	vsel vm0, v57, v6;
	[tilespmem:s13+$0xFFFFFFC0] =	vst v2  }
0x14a: {  	v58 =	vbroadcast v3, $0x8;
	[tilespmem:s13+$0xFFFFFF90] =	vst v59;
	v0 =	vsel vm0, v62, v5  }
0x14b: {  	v61 =	vbroadcast v3, $0x5;
	v7 =	vsel vm0, v56, v50;
	[tilespmem:s13+$0xFFFFFFB0] =	vst v0  }
0x14c: {  	s12 =	sadd.s32 $0x1, s12;
	v1 =	vsel vm0, v58, v52;
	[tilespmem:s13+$0xFFFFFFE0] =	vst v7  }
0x14d: {  	p0 =	sne.s32 s12, s21;
	v63 =	vsel vm0, v61, v51;
	[tilespmem:s13+$0x0] =	vst v1  }
.Ltmp1:
0x14e: {  	[tilespmem:s13+$0xFFFFFFD0] =	vst v63;
	(pc) =	sbr.rel @p0 .LBB2_1-.Ltmp1, $4  }
0x14f: {  	[hbm4b:s20+s3] =	stream.linear.scatter [tilespmem:s4], [sflag:$0x2], $0x6200, $0x38;
	[tilespmem:$0x152E0] =	vst v63  }
0x150: {  	_ =	swait.ge [sflag:s23], $0x6200  }
0x151: {  	[sflag:s23] =	ssyncset.done $0x0  }
0x152: {  	[sflag:s23] =	ssyncadd.s32 $0xFFFF9E00  }
0x153: {  	_ =	sfence.sel $0x180000  }
0x154: {  	[bflag:$0x0] =	sbarrier.arrive $0xFFFF  }
0x155: {  	_ =	strace $0x90000047  }
0x156: {  	s0 =	stileid.u32;
	[bflag:$0x2] =	sbarrier.arrive $0xFFFF  }
0x157: {  	p0 =	sne.s32 s0, $0x0;
	s0 =	rddreg [dreg:$0x5]  }
0x158: {  	s0 =	sadd.s32 @!p0 $0x100000, s0  }
0x159: {  	[sflag:s0] =	ssyncadd.tile.s32 @!p0 $0x1;
	_ =	shalt  }
.Lfunc_end2:
_tile_overlayer_lowered:
.L_overlay_start_2:
0x15a: {  	(tag) =	ssettag $0x2  }
0x15b: {  	s0 =	rddreg [dreg:$0x0];
	s2 =	stileid.u32  }
0x15c: {  	s1 =	rddreg [dreg:$0x1];
	p0 =	sne.s32 s2, $0x0  }
0x15d: {  	s3 =	rddreg [dreg:$0x2];
	[bflag:$0x3] =	sbarrier.arrive $0xFFFF;
	s2 =	simm.s32 @!p0 $0x1C02  }
0x15e: {  	[timem:s3], [sflag:s2] =	dma.local @!p0 [hbm:s0], s1  }
0x15f: {  	s0 =	simm.s32 @!p0 $0x2  }
0x160: {  	_ =	swait.ge @!p0 [sflag:s0], s1  }
0x161: {  	s1 =	ssub.s32 @!p0 $0x0, s1;
	[sflag:s0] =	ssyncset.done @!p0 $0x0  }
0x162: {  	[sflag:s0] =	ssyncadd.s32 @!p0 s1  }
0x163: {  	[bflag:$0x3] =	sbarrier.arrive $0xFFFF  }
0x164: {  	_ =	shalt  }

</sc_bundles>
